<compile_context>
chip_gen: v7x
topology: tpu7x:2x2x1
jax: 0.10.2.dev20260603
libtpu: 0.0.44.dev20260713+nightly
codegen_flags: <defaults>
</compile_context>

<pallas_src>
import functools

import jax
import jax.numpy as jnp
from jax import lax
from jax.experimental import pallas as pl
from jax.experimental.pallas import tpu as pltpu
from jax.experimental.pallas import tpu_sc as plsc

_B = 4
_SEQ = 2048
_D = 768
_EPS = 1e-12
_NC = 2
_NS = 16
_NW = _NC * _NS
_SW = _SEQ // _NW
_CH = 32
_NCHK = (_B * _SW) // _CH
_NBUF = 4

_mesh = plsc.VectorSubcoreMesh(core_axis_name="c", subcore_axis_name="s")


@functools.partial(
    pl.kernel,
    mesh=_mesh,
    out_type=jax.ShapeDtypeStruct((_B * _SEQ, _D), jnp.float32),
    scratch_types=[
        pltpu.VMEM((_NBUF, _CH), jnp.int32),
        pltpu.VMEM((_NBUF * _CH, _D), jnp.float32),
        pltpu.SemaphoreType.DMA((_NBUF,)),
        pltpu.SemaphoreType.DMA((_NBUF,)),
    ],
)
def _sc_gather(ids_hbm, word_hbm, out_hbm, idx_v, ring, gsem, wsem):
    wid = lax.axis_index("s") * _NC + lax.axis_index("c")
    s0 = wid * _SW

    def tok_base(c):
        return (c % 4) * _SEQ + s0 + (c // 4) * _CH

    def buf(u):
        return ring.at[pl.ds(u * _CH, _CH)]

    def arm_gather(c, u):
        pltpu.sync_copy(ids_hbm.at[pl.ds(tok_base(c), _CH)], idx_v.at[u])
        pltpu.make_async_copy(
            word_hbm.at[idx_v.at[u]], buf(u), gsem.at[u]).start()

    def g_wait(u):
        pltpu.make_async_copy(
            word_hbm.at[idx_v.at[u]], buf(u), gsem.at[u]).wait()

    def w_desc(c, u):
        return pltpu.make_async_copy(
            buf(u), out_hbm.at[pl.ds(tok_base(c), _CH)], wsem.at[u])

    arm_gather(0, 0)
    arm_gather(1, 1)

    def pipe(c, carry):
        u = c % _NBUF
        @pl.when(c + 2 < _NCHK)
        def _():
            u2 = (c + 2) % _NBUF

            @pl.when(c >= 2)
            def _():
                w_desc(c - 2, u2).wait()

            arm_gather(c + 2, u2)

        g_wait(u)
        w_desc(c, u).start()
        return carry

    lax.fori_loop(0, _NCHK, pipe, 0)
    for u in range(_NBUF):
        w_desc(_NCHK - _NBUF + u, u).wait()


_ROWS_BLK = 2048


def _tc_ln_body(x_ref, pos_ref, g_ref, b_ref, out_ref):
    y = x_ref[...] + pos_ref[...]
    mu = jnp.mean(y, axis=1, keepdims=True)
    d = y - mu
    var = jnp.mean(d * d, axis=1, keepdims=True)
    o = d * lax.rsqrt(var + _EPS)
    out_ref[...] = o * g_ref[...] + b_ref[...]


_tc_ln = pl.pallas_call(
    _tc_ln_body,
    grid=(_B * _SEQ // _ROWS_BLK,),
    in_specs=[
        pl.BlockSpec((_ROWS_BLK, _D), lambda i: (i, 0)),
        pl.BlockSpec((_ROWS_BLK, _D), lambda i: (i % (_SEQ // _ROWS_BLK), 0)),
        pl.BlockSpec((1, _D), lambda i: (0, 0)),
        pl.BlockSpec((1, _D), lambda i: (0, 0)),
    ],
    out_specs=pl.BlockSpec((_ROWS_BLK, _D), lambda i: (i, 0)),
    out_shape=jax.ShapeDtypeStruct((_B * _SEQ, _D), jnp.float32),
)


def kernel(input_ids, word_emb, pos_emb, gamma, beta):
    ids = input_ids.reshape(-1).astype(jnp.int32)
    rows = _sc_gather(ids, word_emb)
    out = _tc_ln(rows, pos_emb, gamma.reshape(1, _D), beta.reshape(1, _D))
    return out.reshape(_B, _SEQ, _D)

# --- scband reference (transcript-rebuilt; emitter-appended) ---
"""Pipeline reference for scband-gltembeddings-24369644438002 (READ-ONLY COPY).

The authoritative reference and input builder live on the scoring server;
editing this copy changes nothing except your own understanding.
"""

import jax, jax.numpy as jnp
import numpy as np

VOCAB = 100000
B = 4
SEQ = 2048
D = 768
EPS = 1e-12


def _layernorm(x, gamma, beta):
    mu = jnp.mean(x, axis=-1, keepdims=True)
    var = jnp.mean((x - mu) ** 2, axis=-1, keepdims=True)
    return (x - mu) / jnp.sqrt(var + EPS) * gamma + beta


def setup_inputs(seed: int = 0) -> dict:
    key = jax.random.key(seed)
    k1, k2, k3 = jax.random.split(key, 3)
    input_ids = jax.random.randint(k1, (B, SEQ), 0, VOCAB, dtype=jnp.int64 if jax.config.jax_enable_x64 else jnp.int32)
    word_emb = jax.random.normal(k2, (VOCAB, D), dtype=jnp.float32) * 0.02
    pos_emb = jax.random.normal(k3, (SEQ, D), dtype=jnp.float32) * 0.02
    gamma = jnp.ones((D,), dtype=jnp.float32)
    beta = jnp.zeros((D,), dtype=jnp.float32)
    return {"input_ids": input_ids, "word_emb": word_emb, "pos_emb": pos_emb, "gamma": gamma, "beta": beta}


def reference(input_ids, word_emb, pos_emb, gamma, beta):
    # word embedding lookup (gather)
    inputs_embeds = jnp.take(word_emb, input_ids, axis=0)
    # position ids: arange(seq_len) broadcast over batch (use_position_embeddings=True)
    pos_ids = jnp.broadcast_to(jnp.arange(input_ids.shape[1]), input_ids.shape)
    position_embeddings = jnp.take(pos_emb, pos_ids, axis=0)
    embeddings = inputs_embeds + position_embeddings
    embeddings = _layernorm(embeddings, gamma, beta)
    # dropout is identity in eval mode
    return embeddings

if __name__ == "__main__":
    import jax
    _d = setup_inputs()
    print(jax.jit(kernel)(*tuple(_d.values())))

</pallas_src>

<mosaic_0001>
#map = affine_map<(d0, d1) -> (0)>
#map1 = affine_map<(d0, d1) -> (0, 0)>
module attributes {stable_mosaic.version = 14 : i64} {
  func.func @_sc_gather(%arg0: i32, %arg1: i32, %arg2: memref<8192xi32, #tpu.memory_space<hbm>>, %arg3: memref<100000x768xf32, #tpu.memory_space<hbm>>, %arg4: memref<8192x768xf32, #tpu.memory_space<hbm>>, %arg5: memref<4x32xi32, #tpu.memory_space<vmem>>, %arg6: memref<128x768xf32, #tpu.memory_space<vmem>>, %arg7: memref<4x!tpu.dma_semaphore, #tpu.memory_space<semaphore_mem>>, %arg8: memref<4x!tpu.dma_semaphore, #tpu.memory_space<semaphore_mem>>) attributes {dimension_semantics = [#tpu.dimension_semantics<core_parallel>, #tpu.dimension_semantics<subcore_parallel>], iteration_bounds = array<i64: 2, 16>, scalar_prefetch = 0 : i64, scratch_operands = 4 : i64, tpu.core_type = #tpu.core_type<sc_vector_subcore>, window_params = [{transform_indices = #map}, {transform_indices = #map1}, {transform_indices = #map1}]} {
    %mul3A = arith.constant 2 : i32
    %mul3A_0 = arith.muli %arg1, %mul3A : i32
    %add3A = arith.addi %mul3A_0, %arg0 : i32
    %mul3A_1 = arith.constant 64 : i32
    %mul3A_2 = arith.muli %add3A, %mul3A_1 : i32
    %add3A_3 = arith.constant 0 : i32
    %add3A_4 = arith.addi %add3A_3, %mul3A_2 : i32
    %add3A_5 = arith.constant 0 : i32
    %add3A_6 = arith.addi %add3A_4, %add3A_5 : i32
    %run_scoped3A = arith.constant 0 : i32
    "tpu.region"() ({
      %run_scoped3A_109 = tpu.sem_alloc : memref<!tpu.dma_semaphore, #tpu.memory_space<semaphore_mem>>
      %dma_start3A_110 = arith.constant 0 : i32
      %dma_start3A_111 = tpu.memref_slice %arg5[%run_scoped3A, %dma_start3A_110] : memref<4x32xi32, #tpu.memory_space<vmem>> -> memref<1x32xi32, #tpu.memory_space<vmem>>
      %dma_start3A_112 = tpu.memref_squeeze %dma_start3A_111 : memref<1x32xi32, #tpu.memory_space<vmem>> -> memref<32xi32, #tpu.memory_space<vmem>>
      %dma_start3A_113 = tpu.memref_slice %arg2[%add3A_6] : memref<8192xi32, #tpu.memory_space<hbm>> -> memref<32xi32, #tpu.memory_space<hbm>>
      %dma_start3A_114 = arith.constant 0 : i32
      %dma_start3A_115 = tpu.memref_slice %arg5[%run_scoped3A, %dma_start3A_114] : memref<4x32xi32, #tpu.memory_space<vmem>> -> memref<1x32xi32, #tpu.memory_space<vmem>>
      %dma_start3A_116 = tpu.memref_squeeze %dma_start3A_115 : memref<1x32xi32, #tpu.memory_space<vmem>> -> memref<32xi32, #tpu.memory_space<vmem>>
      %dma_start3A_117 = tpu.memref_slice %arg2[%add3A_6] : memref<8192xi32, #tpu.memory_space<hbm>> -> memref<32xi32, #tpu.memory_space<hbm>>
      tpu.enqueue_dma source(%dma_start3A_117 : memref<32xi32, #tpu.memory_space<hbm>>) target(%dma_start3A_116 : memref<32xi32, #tpu.memory_space<vmem>>) target_semaphore(%run_scoped3A_109 : memref<!tpu.dma_semaphore, #tpu.memory_space<semaphore_mem>>)
      %dma_wait3A_118 = arith.constant 0 : i32
      %dma_wait3A_119 = tpu.memref_slice %arg5[%run_scoped3A, %dma_wait3A_118] : memref<4x32xi32, #tpu.memory_space<vmem>> -> memref<1x32xi32, #tpu.memory_space<vmem>>
      %dma_wait3A_120 = tpu.memref_squeeze %dma_wait3A_119 : memref<1x32xi32, #tpu.memory_space<vmem>> -> memref<32xi32, #tpu.memory_space<vmem>>
      %dma_wait3A_121 = tpu.memref_slice %arg2[%add3A_6] : memref<8192xi32, #tpu.memory_space<hbm>> -> memref<32xi32, #tpu.memory_space<hbm>>
      %dma_wait3A_122 = arith.constant 0 : i32
      %dma_wait3A_123 = tpu.memref_slice %arg5[%run_scoped3A, %dma_wait3A_122] : memref<4x32xi32, #tpu.memory_space<vmem>> -> memref<1x32xi32, #tpu.memory_space<vmem>>
      %dma_wait3A_124 = tpu.memref_squeeze %dma_wait3A_123 : memref<1x32xi32, #tpu.memory_space<vmem>> -> memref<32xi32, #tpu.memory_space<vmem>>
      %dma_wait3A_125 = tpu.memref_slice %arg2[%add3A_6] : memref<8192xi32, #tpu.memory_space<hbm>> -> memref<32xi32, #tpu.memory_space<hbm>>
      tpu.wait_dma2 semaphore(%run_scoped3A_109 : memref<!tpu.dma_semaphore, #tpu.memory_space<semaphore_mem>>) src(%dma_wait3A_125 : memref<32xi32, #tpu.memory_space<hbm>>) dst(%dma_wait3A_124 : memref<32xi32, #tpu.memory_space<vmem>>)
      tpu.yield
    }) : () -> ()
    %dma_start3A = arith.constant 0 : i32
    %dma_start3A_7 = arith.constant 0 : i32
    %dma_start3A_8 = arith.constant 0 : i32
    %dma_start3A_9 = arith.constant 0 : i32
    %dma_start3A_10 = tpu.memref_slice %arg6[%dma_start3A_8, %dma_start3A_9] : memref<128x768xf32, #tpu.memory_space<vmem>> -> memref<32x768xf32, #tpu.memory_space<vmem>>
    %dma_start3A_11 = arith.constant 0 : i32
    %dma_start3A_12 = tpu.memref_slice %arg5[%dma_start3A, %dma_start3A_11] : memref<4x32xi32, #tpu.memory_space<vmem>> -> memref<1x32xi32, #tpu.memory_space<vmem>>
    %dma_start3A_13 = tpu.memref_squeeze %dma_start3A_12 : memref<1x32xi32, #tpu.memory_space<vmem>> -> memref<32xi32, #tpu.memory_space<vmem>>
    %dma_start3A_14 = arith.constant 0 : i32
    %dma_start3A_15 = arith.constant 0 : i32
    %dma_start3A_16 = tpu.memref_slice %arg3[%dma_start3A_14, %dma_start3A_15] : memref<100000x768xf32, #tpu.memory_space<hbm>> -> memref<100000x768xf32, #tpu.memory_space<hbm>>
    %dma_start3A_17 = tpu.memref_slice %arg7[%dma_start3A_7] : memref<4x!tpu.dma_semaphore, #tpu.memory_space<semaphore_mem>> -> memref<1x!tpu.dma_semaphore, #tpu.memory_space<semaphore_mem>>
    %dma_start3A_18 = tpu.memref_squeeze %dma_start3A_17 : memref<1x!tpu.dma_semaphore, #tpu.memory_space<semaphore_mem>> -> memref<!tpu.dma_semaphore, #tpu.memory_space<semaphore_mem>>
    tpu.enqueue_indirect_dma source(%dma_start3A_16 : memref<100000x768xf32, #tpu.memory_space<hbm>>) target(%dma_start3A_10 : memref<32x768xf32, #tpu.memory_space<vmem>>) offsets(%dma_start3A_13 : memref<32xi32, #tpu.memory_space<vmem>>) semaphore(%dma_start3A_18 : memref<!tpu.dma_semaphore, #tpu.memory_space<semaphore_mem>>)
    %add3A_19 = arith.constant 2048 : i32
    %add3A_20 = arith.addi %add3A_19, %mul3A_2 : i32
    %add3A_21 = arith.constant 0 : i32
    %add3A_22 = arith.addi %add3A_20, %add3A_21 : i32
    %run_scoped3A_23 = arith.constant 1 : i32
    "tpu.region"() ({
      %run_scoped3A_109 = tpu.sem_alloc : memref<!tpu.dma_semaphore, #tpu.memory_space<semaphore_mem>>
      %dma_start3A_110 = arith.constant 0 : i32
      %dma_start3A_111 = tpu.memref_slice %arg5[%run_scoped3A_23, %dma_start3A_110] : memref<4x32xi32, #tpu.memory_space<vmem>> -> memref<1x32xi32, #tpu.memory_space<vmem>>
      %dma_start3A_112 = tpu.memref_squeeze %dma_start3A_111 : memref<1x32xi32, #tpu.memory_space<vmem>> -> memref<32xi32, #tpu.memory_space<vmem>>
      %dma_start3A_113 = tpu.memref_slice %arg2[%add3A_22] : memref<8192xi32, #tpu.memory_space<hbm>> -> memref<32xi32, #tpu.memory_space<hbm>>
      %dma_start3A_114 = arith.constant 0 : i32
      %dma_start3A_115 = tpu.memref_slice %arg5[%run_scoped3A_23, %dma_start3A_114] : memref<4x32xi32, #tpu.memory_space<vmem>> -> memref<1x32xi32, #tpu.memory_space<vmem>>
      %dma_start3A_116 = tpu.memref_squeeze %dma_start3A_115 : memref<1x32xi32, #tpu.memory_space<vmem>> -> memref<32xi32, #tpu.memory_space<vmem>>
      %dma_start3A_117 = tpu.memref_slice %arg2[%add3A_22] : memref<8192xi32, #tpu.memory_space<hbm>> -> memref<32xi32, #tpu.memory_space<hbm>>
      tpu.enqueue_dma source(%dma_start3A_117 : memref<32xi32, #tpu.memory_space<hbm>>) target(%dma_start3A_116 : memref<32xi32, #tpu.memory_space<vmem>>) target_semaphore(%run_scoped3A_109 : memref<!tpu.dma_semaphore, #tpu.memory_space<semaphore_mem>>)
      %dma_wait3A_118 = arith.constant 0 : i32
      %dma_wait3A_119 = tpu.memref_slice %arg5[%run_scoped3A_23, %dma_wait3A_118] : memref<4x32xi32, #tpu.memory_space<vmem>> -> memref<1x32xi32, #tpu.memory_space<vmem>>
      %dma_wait3A_120 = tpu.memref_squeeze %dma_wait3A_119 : memref<1x32xi32, #tpu.memory_space<vmem>> -> memref<32xi32, #tpu.memory_space<vmem>>
      %dma_wait3A_121 = tpu.memref_slice %arg2[%add3A_22] : memref<8192xi32, #tpu.memory_space<hbm>> -> memref<32xi32, #tpu.memory_space<hbm>>
      %dma_wait3A_122 = arith.constant 0 : i32
      %dma_wait3A_123 = tpu.memref_slice %arg5[%run_scoped3A_23, %dma_wait3A_122] : memref<4x32xi32, #tpu.memory_space<vmem>> -> memref<1x32xi32, #tpu.memory_space<vmem>>
      %dma_wait3A_124 = tpu.memref_squeeze %dma_wait3A_123 : memref<1x32xi32, #tpu.memory_space<vmem>> -> memref<32xi32, #tpu.memory_space<vmem>>
      %dma_wait3A_125 = tpu.memref_slice %arg2[%add3A_22] : memref<8192xi32, #tpu.memory_space<hbm>> -> memref<32xi32, #tpu.memory_space<hbm>>
      tpu.wait_dma2 semaphore(%run_scoped3A_109 : memref<!tpu.dma_semaphore, #tpu.memory_space<semaphore_mem>>) src(%dma_wait3A_125 : memref<32xi32, #tpu.memory_space<hbm>>) dst(%dma_wait3A_124 : memref<32xi32, #tpu.memory_space<vmem>>)
      tpu.yield
    }) : () -> ()
    %dma_start3A_24 = arith.constant 1 : i32
    %dma_start3A_25 = arith.constant 1 : i32
    %dma_start3A_26 = arith.constant 32 : i32
    %dma_start3A_27 = arith.constant 0 : i32
    %dma_start3A_28 = tpu.memref_slice %arg6[%dma_start3A_26, %dma_start3A_27] : memref<128x768xf32, #tpu.memory_space<vmem>> -> memref<32x768xf32, #tpu.memory_space<vmem>>
    %dma_start3A_29 = arith.constant 0 : i32
    %dma_start3A_30 = tpu.memref_slice %arg5[%dma_start3A_24, %dma_start3A_29] : memref<4x32xi32, #tpu.memory_space<vmem>> -> memref<1x32xi32, #tpu.memory_space<vmem>>
    %dma_start3A_31 = tpu.memref_squeeze %dma_start3A_30 : memref<1x32xi32, #tpu.memory_space<vmem>> -> memref<32xi32, #tpu.memory_space<vmem>>
    %dma_start3A_32 = arith.constant 0 : i32
    %dma_start3A_33 = arith.constant 0 : i32
    %dma_start3A_34 = tpu.memref_slice %arg3[%dma_start3A_32, %dma_start3A_33] : memref<100000x768xf32, #tpu.memory_space<hbm>> -> memref<100000x768xf32, #tpu.memory_space<hbm>>
    %dma_start3A_35 = tpu.memref_slice %arg7[%dma_start3A_25] : memref<4x!tpu.dma_semaphore, #tpu.memory_space<semaphore_mem>> -> memref<1x!tpu.dma_semaphore, #tpu.memory_space<semaphore_mem>>
    %dma_start3A_36 = tpu.memref_squeeze %dma_start3A_35 : memref<1x!tpu.dma_semaphore, #tpu.memory_space<semaphore_mem>> -> memref<!tpu.dma_semaphore, #tpu.memory_space<semaphore_mem>>
    tpu.enqueue_indirect_dma source(%dma_start3A_34 : memref<100000x768xf32, #tpu.memory_space<hbm>>) target(%dma_start3A_28 : memref<32x768xf32, #tpu.memory_space<vmem>>) offsets(%dma_start3A_31 : memref<32xi32, #tpu.memory_space<vmem>>) semaphore(%dma_start3A_36 : memref<!tpu.dma_semaphore, #tpu.memory_space<semaphore_mem>>)
    %scan3A = arith.constant 0 : i32
    %scan3A_37 = arith.constant 0 : i32
    %scan3A_38 = arith.constant 8 : i32
    %scan3A_39 = arith.addi %scan3A_37, %scan3A_38 : i32
    %scan3A_40 = arith.constant 1 : i32
    scf.for %scan3A_109 = %scan3A_37 to %scan3A_39 step %scan3A_40  : i32 {
      %jit3A = arith.constant 4 : i32
      %eq3A = arith.constant 0 : i32
      %eq3A_110 = arith.cmpi eq, %jit3A, %eq3A : i32
      %jit3A_111 = arith.constant 1 : i32
      %select_n3A = arith.select %eq3A_110, %jit3A_111, %jit3A : i32
      %rem3A = arith.remsi %scan3A_109, %select_n3A : i32
      %ne3A = arith.constant 0 : i32
      %ne3A_112 = arith.cmpi ne, %rem3A, %ne3A : i32
      %lt3A = arith.constant 0 : i32
      %lt3A_113 = arith.cmpi slt, %rem3A, %lt3A : i32
      %lt3A_114 = arith.constant 0 : i32
      %lt3A_115 = arith.cmpi slt, %select_n3A, %lt3A_114 : i32
      %ne3A_116 = arith.xori %lt3A_113, %lt3A_115 : i1
      %and3A = arith.andi %ne3A_116, %ne3A_112 : i1
      %add3A_117 = arith.addi %rem3A, %select_n3A : i32
      %select_n3A_118 = arith.select %and3A, %add3A_117, %rem3A : i32
      %add3A_119 = arith.constant 2 : i32
      %add3A_120 = arith.addi %scan3A_109, %add3A_119 : i32
      %lt3A_121 = arith.constant 8 : i32
      %lt3A_122 = arith.cmpi slt, %add3A_120, %lt3A_121 : i32
      %convert_element_type3A = arith.extui %lt3A_122 : i1 to i32
      %cond3A = arith.constant 0 : i32
      %cond3A_123 = arith.cmpi ne, %convert_element_type3A, %cond3A : i32
      scf.if %cond3A_123 {
        %add3A_191 = arith.constant 2 : i32
        %add3A_192 = arith.addi %scan3A_109, %add3A_191 : i32
        %jit3A_193 = arith.constant 4 : i32
        %eq3A_194 = arith.constant 0 : i32
        %eq3A_195 = arith.cmpi eq, %jit3A_193, %eq3A_194 : i32
        %jit3A_196 = arith.constant 1 : i32
        %select_n3A_197 = arith.select %eq3A_195, %jit3A_196, %jit3A_193 : i32
        %rem3A_198 = arith.remsi %add3A_192, %select_n3A_197 : i32
        %ne3A_199 = arith.constant 0 : i32
        %ne3A_200 = arith.cmpi ne, %rem3A_198, %ne3A_199 : i32
        %lt3A_201 = arith.constant 0 : i32
        %lt3A_202 = arith.cmpi slt, %rem3A_198, %lt3A_201 : i32
        %lt3A_203 = arith.constant 0 : i32
        %lt3A_204 = arith.cmpi slt, %select_n3A_197, %lt3A_203 : i32
        %ne3A_205 = arith.xori %lt3A_202, %lt3A_204 : i1
        %and3A_206 = arith.andi %ne3A_205, %ne3A_200 : i1
        %add3A_207 = arith.addi %rem3A_198, %select_n3A_197 : i32
        %select_n3A_208 = arith.select %and3A_206, %add3A_207, %rem3A_198 : i32
        %ge3A = arith.constant 2 : i32
        %ge3A_209 = arith.cmpi sge, %scan3A_109, %ge3A : i32
        %convert_element_type3A_210 = arith.extui %ge3A_209 : i1 to i32
        %cond3A_211 = arith.constant 0 : i32
        %cond3A_212 = arith.cmpi ne, %convert_element_type3A_210, %cond3A_211 : i32
        scf.if %cond3A_212 {
          %sub3A_273 = arith.constant 2 : i32
          %sub3A_274 = arith.subi %scan3A_109, %sub3A_273 : i32
          %mul3A_275 = arith.constant 32 : i32
          %mul3A_276 = arith.muli %select_n3A_208, %mul3A_275 : i32
          %jit3A_277 = arith.constant 4 : i32
          %eq3A_278 = arith.constant 0 : i32
          %eq3A_279 = arith.cmpi eq, %jit3A_277, %eq3A_278 : i32
          %jit3A_280 = arith.constant 1 : i32
          %select_n3A_281 = arith.select %eq3A_279, %jit3A_280, %jit3A_277 : i32
          %rem3A_282 = arith.remsi %sub3A_274, %select_n3A_281 : i32
          %ne3A_283 = arith.constant 0 : i32
          %ne3A_284 = arith.cmpi ne, %rem3A_282, %ne3A_283 : i32
          %lt3A_285 = arith.constant 0 : i32
          %lt3A_286 = arith.cmpi slt, %rem3A_282, %lt3A_285 : i32
          %lt3A_287 = arith.constant 0 : i32
          %lt3A_288 = arith.cmpi slt, %select_n3A_281, %lt3A_287 : i32
          %ne3A_289 = arith.xori %lt3A_286, %lt3A_288 : i1
          %and3A_290 = arith.andi %ne3A_289, %ne3A_284 : i1
          %add3A_291 = arith.addi %rem3A_282, %select_n3A_281 : i32
          %select_n3A_292 = arith.select %and3A_290, %add3A_291, %rem3A_282 : i32
          %mul3A_293 = arith.constant 2048 : i32
          %mul3A_294 = arith.muli %select_n3A_292, %mul3A_293 : i32
          %add3A_295 = arith.addi %mul3A_294, %mul3A_2 : i32
          %jit3A_296 = arith.constant 4 : i32
          %div3A_297 = arith.divsi %sub3A_274, %jit3A_296 : i32
          %sign3A_298 = arith.constant 0 : i32
          %sign3A_299 = arith.cmpi sgt, %sub3A_274, %sign3A_298 : i32
          %sign3A_300 = arith.extui %sign3A_299 : i1 to i32
          %sign3A_301 = arith.constant 0 : i32
          %sign3A_302 = arith.cmpi slt, %sub3A_274, %sign3A_301 : i32
          %sign3A_303 = arith.extui %sign3A_302 : i1 to i32
          %sign3A_304 = arith.subi %sign3A_300, %sign3A_303 : i32
          %sign3A_305 = arith.constant 0 : i32
          %sign3A_306 = arith.cmpi sgt, %jit3A_296, %sign3A_305 : i32
          %sign3A_307 = arith.extui %sign3A_306 : i1 to i32
          %sign3A_308 = arith.constant 0 : i32
          %sign3A_309 = arith.cmpi slt, %jit3A_296, %sign3A_308 : i32
          %sign3A_310 = arith.extui %sign3A_309 : i1 to i32
          %sign3A_311 = arith.subi %sign3A_307, %sign3A_310 : i32
          %ne3A_312 = arith.cmpi ne, %sign3A_304, %sign3A_311 : i32
          %rem3A_313 = arith.remsi %sub3A_274, %jit3A_296 : i32
          %ne3A_314 = arith.constant 0 : i32
          %ne3A_315 = arith.cmpi ne, %rem3A_313, %ne3A_314 : i32
          %and3A_316 = arith.andi %ne3A_312, %ne3A_315 : i1
          %sub3A_317 = arith.constant 1 : i32
          %sub3A_318 = arith.subi %div3A_297, %sub3A_317 : i32
          %select_n3A_319 = arith.select %and3A_316, %sub3A_318, %div3A_297 : i32
          %mul3A_320 = arith.constant 32 : i32
          %mul3A_321 = arith.muli %select_n3A_319, %mul3A_320 : i32
          %add3A_322 = arith.addi %add3A_295, %mul3A_321 : i32
          %dma_wait3A_323 = arith.constant 0 : i32
          %dma_wait3A_324 = tpu.memref_slice %arg6[%mul3A_276, %dma_wait3A_323] : memref<128x768xf32, #tpu.memory_space<vmem>> -> memref<32x768xf32, #tpu.memory_space<vmem>>
          %dma_wait3A_325 = arith.constant 0 : i32
          %dma_wait3A_326 = tpu.memref_slice %arg4[%add3A_322, %dma_wait3A_325] : memref<8192x768xf32, #tpu.memory_space<hbm>> -> memref<32x768xf32, #tpu.memory_space<hbm>>
          %dma_wait3A_327 = tpu.memref_slice %arg8[%select_n3A_208] : memref<4x!tpu.dma_semaphore, #tpu.memory_space<semaphore_mem>> -> memref<1x!tpu.dma_semaphore, #tpu.memory_space<semaphore_mem>>
          %dma_wait3A_328 = tpu.memref_squeeze %dma_wait3A_327 : memref<1x!tpu.dma_semaphore, #tpu.memory_space<semaphore_mem>> -> memref<!tpu.dma_semaphore, #tpu.memory_space<semaphore_mem>>
          %dma_wait3A_329 = arith.constant 0 : i32
          %dma_wait3A_330 = tpu.memref_slice %arg4[%add3A_322, %dma_wait3A_329] : memref<8192x768xf32, #tpu.memory_space<hbm>> -> memref<32x768xf32, #tpu.memory_space<hbm>>
          %dma_wait3A_331 = arith.constant 0 : i32
          %dma_wait3A_332 = tpu.memref_slice %arg6[%mul3A_276, %dma_wait3A_331] : memref<128x768xf32, #tpu.memory_space<vmem>> -> memref<32x768xf32, #tpu.memory_space<vmem>>
          tpu.wait_dma2 semaphore(%dma_wait3A_328 : memref<!tpu.dma_semaphore, #tpu.memory_space<semaphore_mem>>) src(%dma_wait3A_332 : memref<32x768xf32, #tpu.memory_space<vmem>>) dst(%dma_wait3A_330 : memref<32x768xf32, #tpu.memory_space<hbm>>)
        } else {
        }
        %add3A_213 = arith.constant 2 : i32
        %add3A_214 = arith.addi %scan3A_109, %add3A_213 : i32
        %jit3A_215 = arith.constant 4 : i32
        %eq3A_216 = arith.constant 0 : i32
        %eq3A_217 = arith.cmpi eq, %jit3A_215, %eq3A_216 : i32
        %jit3A_218 = arith.constant 1 : i32
        %select_n3A_219 = arith.select %eq3A_217, %jit3A_218, %jit3A_215 : i32
        %rem3A_220 = arith.remsi %add3A_214, %select_n3A_219 : i32
        %ne3A_221 = arith.constant 0 : i32
        %ne3A_222 = arith.cmpi ne, %rem3A_220, %ne3A_221 : i32
        %lt3A_223 = arith.constant 0 : i32
        %lt3A_224 = arith.cmpi slt, %rem3A_220, %lt3A_223 : i32
        %lt3A_225 = arith.constant 0 : i32
        %lt3A_226 = arith.cmpi slt, %select_n3A_219, %lt3A_225 : i32
        %ne3A_227 = arith.xori %lt3A_224, %lt3A_226 : i1
        %and3A_228 = arith.andi %ne3A_227, %ne3A_222 : i1
        %add3A_229 = arith.addi %rem3A_220, %select_n3A_219 : i32
        %select_n3A_230 = arith.select %and3A_228, %add3A_229, %rem3A_220 : i32
        %mul3A_231 = arith.constant 2048 : i32
        %mul3A_232 = arith.muli %select_n3A_230, %mul3A_231 : i32
        %add3A_233 = arith.addi %mul3A_232, %mul3A_2 : i32
        %jit3A_234 = arith.constant 4 : i32
        %div3A_235 = arith.divsi %add3A_214, %jit3A_234 : i32
        %sign3A_236 = arith.constant 0 : i32
        %sign3A_237 = arith.cmpi sgt, %add3A_214, %sign3A_236 : i32
        %sign3A_238 = arith.extui %sign3A_237 : i1 to i32
        %sign3A_239 = arith.constant 0 : i32
        %sign3A_240 = arith.cmpi slt, %add3A_214, %sign3A_239 : i32
        %sign3A_241 = arith.extui %sign3A_240 : i1 to i32
        %sign3A_242 = arith.subi %sign3A_238, %sign3A_241 : i32
        %sign3A_243 = arith.constant 0 : i32
        %sign3A_244 = arith.cmpi sgt, %jit3A_234, %sign3A_243 : i32
        %sign3A_245 = arith.extui %sign3A_244 : i1 to i32
        %sign3A_246 = arith.constant 0 : i32
        %sign3A_247 = arith.cmpi slt, %jit3A_234, %sign3A_246 : i32
        %sign3A_248 = arith.extui %sign3A_247 : i1 to i32
        %sign3A_249 = arith.subi %sign3A_245, %sign3A_248 : i32
        %ne3A_250 = arith.cmpi ne, %sign3A_242, %sign3A_249 : i32
        %rem3A_251 = arith.remsi %add3A_214, %jit3A_234 : i32
        %ne3A_252 = arith.constant 0 : i32
        %ne3A_253 = arith.cmpi ne, %rem3A_251, %ne3A_252 : i32
        %and3A_254 = arith.andi %ne3A_250, %ne3A_253 : i1
        %sub3A_255 = arith.constant 1 : i32
        %sub3A_256 = arith.subi %div3A_235, %sub3A_255 : i32
        %select_n3A_257 = arith.select %and3A_254, %sub3A_256, %div3A_235 : i32
        %mul3A_258 = arith.constant 32 : i32
        %mul3A_259 = arith.muli %select_n3A_257, %mul3A_258 : i32
        %add3A_260 = arith.addi %add3A_233, %mul3A_259 : i32
        "tpu.region"() ({
          %run_scoped3A_273 = tpu.sem_alloc : memref<!tpu.dma_semaphore, #tpu.memory_space<semaphore_mem>>
          %dma_start3A_274 = arith.constant 0 : i32
          %dma_start3A_275 = tpu.memref_slice %arg5[%select_n3A_208, %dma_start3A_274] : memref<4x32xi32, #tpu.memory_space<vmem>> -> memref<1x32xi32, #tpu.memory_space<vmem>>
          %dma_start3A_276 = tpu.memref_squeeze %dma_start3A_275 : memref<1x32xi32, #tpu.memory_space<vmem>> -> memref<32xi32, #tpu.memory_space<vmem>>
          %dma_start3A_277 = tpu.memref_slice %arg2[%add3A_260] : memref<8192xi32, #tpu.memory_space<hbm>> -> memref<32xi32, #tpu.memory_space<hbm>>
          %dma_start3A_278 = arith.constant 0 : i32
          %dma_start3A_279 = tpu.memref_slice %arg5[%select_n3A_208, %dma_start3A_278] : memref<4x32xi32, #tpu.memory_space<vmem>> -> memref<1x32xi32, #tpu.memory_space<vmem>>
          %dma_start3A_280 = tpu.memref_squeeze %dma_start3A_279 : memref<1x32xi32, #tpu.memory_space<vmem>> -> memref<32xi32, #tpu.memory_space<vmem>>
          %dma_start3A_281 = tpu.memref_slice %arg2[%add3A_260] : memref<8192xi32, #tpu.memory_space<hbm>> -> memref<32xi32, #tpu.memory_space<hbm>>
          tpu.enqueue_dma source(%dma_start3A_281 : memref<32xi32, #tpu.memory_space<hbm>>) target(%dma_start3A_280 : memref<32xi32, #tpu.memory_space<vmem>>) target_semaphore(%run_scoped3A_273 : memref<!tpu.dma_semaphore, #tpu.memory_space<semaphore_mem>>)
          %dma_wait3A_282 = arith.constant 0 : i32
          %dma_wait3A_283 = tpu.memref_slice %arg5[%select_n3A_208, %dma_wait3A_282] : memref<4x32xi32, #tpu.memory_space<vmem>> -> memref<1x32xi32, #tpu.memory_space<vmem>>
          %dma_wait3A_284 = tpu.memref_squeeze %dma_wait3A_283 : memref<1x32xi32, #tpu.memory_space<vmem>> -> memref<32xi32, #tpu.memory_space<vmem>>
          %dma_wait3A_285 = tpu.memref_slice %arg2[%add3A_260] : memref<8192xi32, #tpu.memory_space<hbm>> -> memref<32xi32, #tpu.memory_space<hbm>>
          %dma_wait3A_286 = arith.constant 0 : i32
          %dma_wait3A_287 = tpu.memref_slice %arg5[%select_n3A_208, %dma_wait3A_286] : memref<4x32xi32, #tpu.memory_space<vmem>> -> memref<1x32xi32, #tpu.memory_space<vmem>>
          %dma_wait3A_288 = tpu.memref_squeeze %dma_wait3A_287 : memref<1x32xi32, #tpu.memory_space<vmem>> -> memref<32xi32, #tpu.memory_space<vmem>>
          %dma_wait3A_289 = tpu.memref_slice %arg2[%add3A_260] : memref<8192xi32, #tpu.memory_space<hbm>> -> memref<32xi32, #tpu.memory_space<hbm>>
          tpu.wait_dma2 semaphore(%run_scoped3A_273 : memref<!tpu.dma_semaphore, #tpu.memory_space<semaphore_mem>>) src(%dma_wait3A_289 : memref<32xi32, #tpu.memory_space<hbm>>) dst(%dma_wait3A_288 : memref<32xi32, #tpu.memory_space<vmem>>)
          tpu.yield
        }) : () -> ()
        %mul3A_261 = arith.constant 32 : i32
        %mul3A_262 = arith.muli %select_n3A_208, %mul3A_261 : i32
        %dma_start3A_263 = arith.constant 0 : i32
        %dma_start3A_264 = tpu.memref_slice %arg6[%mul3A_262, %dma_start3A_263] : memref<128x768xf32, #tpu.memory_space<vmem>> -> memref<32x768xf32, #tpu.memory_space<vmem>>
        %dma_start3A_265 = arith.constant 0 : i32
        %dma_start3A_266 = tpu.memref_slice %arg5[%select_n3A_208, %dma_start3A_265] : memref<4x32xi32, #tpu.memory_space<vmem>> -> memref<1x32xi32, #tpu.memory_space<vmem>>
        %dma_start3A_267 = tpu.memref_squeeze %dma_start3A_266 : memref<1x32xi32, #tpu.memory_space<vmem>> -> memref<32xi32, #tpu.memory_space<vmem>>
        %dma_start3A_268 = arith.constant 0 : i32
        %dma_start3A_269 = arith.constant 0 : i32
        %dma_start3A_270 = tpu.memref_slice %arg3[%dma_start3A_268, %dma_start3A_269] : memref<100000x768xf32, #tpu.memory_space<hbm>> -> memref<100000x768xf32, #tpu.memory_space<hbm>>
        %dma_start3A_271 = tpu.memref_slice %arg7[%select_n3A_208] : memref<4x!tpu.dma_semaphore, #tpu.memory_space<semaphore_mem>> -> memref<1x!tpu.dma_semaphore, #tpu.memory_space<semaphore_mem>>
        %dma_start3A_272 = tpu.memref_squeeze %dma_start3A_271 : memref<1x!tpu.dma_semaphore, #tpu.memory_space<semaphore_mem>> -> memref<!tpu.dma_semaphore, #tpu.memory_space<semaphore_mem>>
        tpu.enqueue_indirect_dma source(%dma_start3A_270 : memref<100000x768xf32, #tpu.memory_space<hbm>>) target(%dma_start3A_264 : memref<32x768xf32, #tpu.memory_space<vmem>>) offsets(%dma_start3A_267 : memref<32xi32, #tpu.memory_space<vmem>>) semaphore(%dma_start3A_272 : memref<!tpu.dma_semaphore, #tpu.memory_space<semaphore_mem>>)
      } else {
      }
      %mul3A_124 = arith.constant 32 : i32
      %mul3A_125 = arith.muli %select_n3A_118, %mul3A_124 : i32
      %dma_wait3A_126 = arith.constant 0 : i32
      %dma_wait3A_127 = tpu.memref_slice %arg6[%mul3A_125, %dma_wait3A_126] : memref<128x768xf32, #tpu.memory_space<vmem>> -> memref<32x768xf32, #tpu.memory_space<vmem>>
      %dma_wait3A_128 = arith.constant 0 : i32
      %dma_wait3A_129 = tpu.memref_slice %arg5[%select_n3A_118, %dma_wait3A_128] : memref<4x32xi32, #tpu.memory_space<vmem>> -> memref<1x32xi32, #tpu.memory_space<vmem>>
      %dma_wait3A_130 = tpu.memref_squeeze %dma_wait3A_129 : memref<1x32xi32, #tpu.memory_space<vmem>> -> memref<32xi32, #tpu.memory_space<vmem>>
      %dma_wait3A_131 = arith.constant 0 : i32
      %dma_wait3A_132 = arith.constant 0 : i32
      %dma_wait3A_133 = tpu.memref_slice %arg3[%dma_wait3A_131, %dma_wait3A_132] : memref<100000x768xf32, #tpu.memory_space<hbm>> -> memref<100000x768xf32, #tpu.memory_space<hbm>>
      %dma_wait3A_134 = tpu.memref_slice %arg7[%select_n3A_118] : memref<4x!tpu.dma_semaphore, #tpu.memory_space<semaphore_mem>> -> memref<1x!tpu.dma_semaphore, #tpu.memory_space<semaphore_mem>>
      %dma_wait3A_135 = tpu.memref_squeeze %dma_wait3A_134 : memref<1x!tpu.dma_semaphore, #tpu.memory_space<semaphore_mem>> -> memref<!tpu.dma_semaphore, #tpu.memory_space<semaphore_mem>>
      tpu.wait_indirect_dma semaphore(%dma_wait3A_135 : memref<!tpu.dma_semaphore, #tpu.memory_space<semaphore_mem>>) src(%dma_wait3A_133 : memref<100000x768xf32, #tpu.memory_space<hbm>>) dst(%dma_wait3A_127 : memref<32x768xf32, #tpu.memory_space<vmem>>)
      %mul3A_136 = arith.constant 32 : i32
      %mul3A_137 = arith.muli %select_n3A_118, %mul3A_136 : i32
      %jit3A_138 = arith.constant 4 : i32
      %eq3A_139 = arith.constant 0 : i32
      %eq3A_140 = arith.cmpi eq, %jit3A_138, %eq3A_139 : i32
      %jit3A_141 = arith.constant 1 : i32
      %select_n3A_142 = arith.select %eq3A_140, %jit3A_141, %jit3A_138 : i32
      %rem3A_143 = arith.remsi %scan3A_109, %select_n3A_142 : i32
      %ne3A_144 = arith.constant 0 : i32
      %ne3A_145 = arith.cmpi ne, %rem3A_143, %ne3A_144 : i32
      %lt3A_146 = arith.constant 0 : i32
      %lt3A_147 = arith.cmpi slt, %rem3A_143, %lt3A_146 : i32
      %lt3A_148 = arith.constant 0 : i32
      %lt3A_149 = arith.cmpi slt, %select_n3A_142, %lt3A_148 : i32
      %ne3A_150 = arith.xori %lt3A_147, %lt3A_149 : i1
      %and3A_151 = arith.andi %ne3A_150, %ne3A_145 : i1
      %add3A_152 = arith.addi %rem3A_143, %select_n3A_142 : i32
      %select_n3A_153 = arith.select %and3A_151, %add3A_152, %rem3A_143 : i32
      %mul3A_154 = arith.constant 2048 : i32
      %mul3A_155 = arith.muli %select_n3A_153, %mul3A_154 : i32
      %add3A_156 = arith.addi %mul3A_155, %mul3A_2 : i32
      %jit3A_157 = arith.constant 4 : i32
      %div3A = arith.divsi %scan3A_109, %jit3A_157 : i32
      %sign3A = arith.constant 0 : i32
      %sign3A_158 = arith.cmpi sgt, %scan3A_109, %sign3A : i32
      %sign3A_159 = arith.extui %sign3A_158 : i1 to i32
      %sign3A_160 = arith.constant 0 : i32
      %sign3A_161 = arith.cmpi slt, %scan3A_109, %sign3A_160 : i32
      %sign3A_162 = arith.extui %sign3A_161 : i1 to i32
      %sign3A_163 = arith.subi %sign3A_159, %sign3A_162 : i32
      %sign3A_164 = arith.constant 0 : i32
      %sign3A_165 = arith.cmpi sgt, %jit3A_157, %sign3A_164 : i32
      %sign3A_166 = arith.extui %sign3A_165 : i1 to i32
      %sign3A_167 = arith.constant 0 : i32
      %sign3A_168 = arith.cmpi slt, %jit3A_157, %sign3A_167 : i32
      %sign3A_169 = arith.extui %sign3A_168 : i1 to i32
      %sign3A_170 = arith.subi %sign3A_166, %sign3A_169 : i32
      %ne3A_171 = arith.cmpi ne, %sign3A_163, %sign3A_170 : i32
      %rem3A_172 = arith.remsi %scan3A_109, %jit3A_157 : i32
      %ne3A_173 = arith.constant 0 : i32
      %ne3A_174 = arith.cmpi ne, %rem3A_172, %ne3A_173 : i32
      %and3A_175 = arith.andi %ne3A_171, %ne3A_174 : i1
      %sub3A = arith.constant 1 : i32
      %sub3A_176 = arith.subi %div3A, %sub3A : i32
      %select_n3A_177 = arith.select %and3A_175, %sub3A_176, %div3A : i32
      %mul3A_178 = arith.constant 32 : i32
      %mul3A_179 = arith.muli %select_n3A_177, %mul3A_178 : i32
      %add3A_180 = arith.addi %add3A_156, %mul3A_179 : i32
      %dma_start3A_181 = arith.constant 0 : i32
      %dma_start3A_182 = tpu.memref_slice %arg6[%mul3A_137, %dma_start3A_181] : memref<128x768xf32, #tpu.memory_space<vmem>> -> memref<32x768xf32, #tpu.memory_space<vmem>>
      %dma_start3A_183 = arith.constant 0 : i32
      %dma_start3A_184 = tpu.memref_slice %arg4[%add3A_180, %dma_start3A_183] : memref<8192x768xf32, #tpu.memory_space<hbm>> -> memref<32x768xf32, #tpu.memory_space<hbm>>
      %dma_start3A_185 = tpu.memref_slice %arg8[%select_n3A_118] : memref<4x!tpu.dma_semaphore, #tpu.memory_space<semaphore_mem>> -> memref<1x!tpu.dma_semaphore, #tpu.memory_space<semaphore_mem>>
      %dma_start3A_186 = tpu.memref_squeeze %dma_start3A_185 : memref<1x!tpu.dma_semaphore, #tpu.memory_space<semaphore_mem>> -> memref<!tpu.dma_semaphore, #tpu.memory_space<semaphore_mem>>
      %dma_start3A_187 = arith.constant 0 : i32
      %dma_start3A_188 = tpu.memref_slice %arg4[%add3A_180, %dma_start3A_187] : memref<8192x768xf32, #tpu.memory_space<hbm>> -> memref<32x768xf32, #tpu.memory_space<hbm>>
      %dma_start3A_189 = arith.constant 0 : i32
      %dma_start3A_190 = tpu.memref_slice %arg6[%mul3A_137, %dma_start3A_189] : memref<128x768xf32, #tpu.memory_space<vmem>> -> memref<32x768xf32, #tpu.memory_space<vmem>>
      tpu.enqueue_dma source(%dma_start3A_190 : memref<32x768xf32, #tpu.memory_space<vmem>>) target(%dma_start3A_188 : memref<32x768xf32, #tpu.memory_space<hbm>>) target_semaphore(%dma_start3A_186 : memref<!tpu.dma_semaphore, #tpu.memory_space<semaphore_mem>>)
    }
    %scan3A_41 = arith.constant 8 : i32
    %add3A_42 = arith.constant 0 : i32
    %add3A_43 = arith.addi %add3A_42, %mul3A_2 : i32
    %add3A_44 = arith.constant 32 : i32
    %add3A_45 = arith.addi %add3A_43, %add3A_44 : i32
    %dma_wait3A = arith.constant 0 : i32
    %dma_wait3A_46 = arith.constant 0 : i32
    %dma_wait3A_47 = arith.constant 0 : i32
    %dma_wait3A_48 = tpu.memref_slice %arg6[%dma_wait3A_46, %dma_wait3A_47] : memref<128x768xf32, #tpu.memory_space<vmem>> -> memref<32x768xf32, #tpu.memory_space<vmem>>
    %dma_wait3A_49 = arith.constant 0 : i32
    %dma_wait3A_50 = tpu.memref_slice %arg4[%add3A_45, %dma_wait3A_49] : memref<8192x768xf32, #tpu.memory_space<hbm>> -> memref<32x768xf32, #tpu.memory_space<hbm>>
    %dma_wait3A_51 = tpu.memref_slice %arg8[%dma_wait3A] : memref<4x!tpu.dma_semaphore, #tpu.memory_space<semaphore_mem>> -> memref<1x!tpu.dma_semaphore, #tpu.memory_space<semaphore_mem>>
    %dma_wait3A_52 = tpu.memref_squeeze %dma_wait3A_51 : memref<1x!tpu.dma_semaphore, #tpu.memory_space<semaphore_mem>> -> memref<!tpu.dma_semaphore, #tpu.memory_space<semaphore_mem>>
    %dma_wait3A_53 = arith.constant 0 : i32
    %dma_wait3A_54 = tpu.memref_slice %arg4[%add3A_45, %dma_wait3A_53] : memref<8192x768xf32, #tpu.memory_space<hbm>> -> memref<32x768xf32, #tpu.memory_space<hbm>>
    %dma_wait3A_55 = arith.constant 0 : i32
    %dma_wait3A_56 = arith.constant 0 : i32
    %dma_wait3A_57 = tpu.memref_slice %arg6[%dma_wait3A_55, %dma_wait3A_56] : memref<128x768xf32, #tpu.memory_space<vmem>> -> memref<32x768xf32, #tpu.memory_space<vmem>>
    tpu.wait_dma2 semaphore(%dma_wait3A_52 : memref<!tpu.dma_semaphore, #tpu.memory_space<semaphore_mem>>) src(%dma_wait3A_57 : memref<32x768xf32, #tpu.memory_space<vmem>>) dst(%dma_wait3A_54 : memref<32x768xf32, #tpu.memory_space<hbm>>)
    %add3A_58 = arith.constant 2048 : i32
    %add3A_59 = arith.addi %add3A_58, %mul3A_2 : i32
    %add3A_60 = arith.constant 32 : i32
    %add3A_61 = arith.addi %add3A_59, %add3A_60 : i32
    %dma_wait3A_62 = arith.constant 1 : i32
    %dma_wait3A_63 = arith.constant 32 : i32
    %dma_wait3A_64 = arith.constant 0 : i32
    %dma_wait3A_65 = tpu.memref_slice %arg6[%dma_wait3A_63, %dma_wait3A_64] : memref<128x768xf32, #tpu.memory_space<vmem>> -> memref<32x768xf32, #tpu.memory_space<vmem>>
    %dma_wait3A_66 = arith.constant 0 : i32
    %dma_wait3A_67 = tpu.memref_slice %arg4[%add3A_61, %dma_wait3A_66] : memref<8192x768xf32, #tpu.memory_space<hbm>> -> memref<32x768xf32, #tpu.memory_space<hbm>>
    %dma_wait3A_68 = tpu.memref_slice %arg8[%dma_wait3A_62] : memref<4x!tpu.dma_semaphore, #tpu.memory_space<semaphore_mem>> -> memref<1x!tpu.dma_semaphore, #tpu.memory_space<semaphore_mem>>
    %dma_wait3A_69 = tpu.memref_squeeze %dma_wait3A_68 : memref<1x!tpu.dma_semaphore, #tpu.memory_space<semaphore_mem>> -> memref<!tpu.dma_semaphore, #tpu.memory_space<semaphore_mem>>
    %dma_wait3A_70 = arith.constant 0 : i32
    %dma_wait3A_71 = tpu.memref_slice %arg4[%add3A_61, %dma_wait3A_70] : memref<8192x768xf32, #tpu.memory_space<hbm>> -> memref<32x768xf32, #tpu.memory_space<hbm>>
    %dma_wait3A_72 = arith.constant 32 : i32
    %dma_wait3A_73 = arith.constant 0 : i32
    %dma_wait3A_74 = tpu.memref_slice %arg6[%dma_wait3A_72, %dma_wait3A_73] : memref<128x768xf32, #tpu.memory_space<vmem>> -> memref<32x768xf32, #tpu.memory_space<vmem>>
    tpu.wait_dma2 semaphore(%dma_wait3A_69 : memref<!tpu.dma_semaphore, #tpu.memory_space<semaphore_mem>>) src(%dma_wait3A_74 : memref<32x768xf32, #tpu.memory_space<vmem>>) dst(%dma_wait3A_71 : memref<32x768xf32, #tpu.memory_space<hbm>>)
    %add3A_75 = arith.constant 4096 : i32
    %add3A_76 = arith.addi %add3A_75, %mul3A_2 : i32
    %add3A_77 = arith.constant 32 : i32
    %add3A_78 = arith.addi %add3A_76, %add3A_77 : i32
    %dma_wait3A_79 = arith.constant 2 : i32
    %dma_wait3A_80 = arith.constant 64 : i32
    %dma_wait3A_81 = arith.constant 0 : i32
    %dma_wait3A_82 = tpu.memref_slice %arg6[%dma_wait3A_80, %dma_wait3A_81] : memref<128x768xf32, #tpu.memory_space<vmem>> -> memref<32x768xf32, #tpu.memory_space<vmem>>
    %dma_wait3A_83 = arith.constant 0 : i32
    %dma_wait3A_84 = tpu.memref_slice %arg4[%add3A_78, %dma_wait3A_83] : memref<8192x768xf32, #tpu.memory_space<hbm>> -> memref<32x768xf32, #tpu.memory_space<hbm>>
    %dma_wait3A_85 = tpu.memref_slice %arg8[%dma_wait3A_79] : memref<4x!tpu.dma_semaphore, #tpu.memory_space<semaphore_mem>> -> memref<1x!tpu.dma_semaphore, #tpu.memory_space<semaphore_mem>>
    %dma_wait3A_86 = tpu.memref_squeeze %dma_wait3A_85 : memref<1x!tpu.dma_semaphore, #tpu.memory_space<semaphore_mem>> -> memref<!tpu.dma_semaphore, #tpu.memory_space<semaphore_mem>>
    %dma_wait3A_87 = arith.constant 0 : i32
    %dma_wait3A_88 = tpu.memref_slice %arg4[%add3A_78, %dma_wait3A_87] : memref<8192x768xf32, #tpu.memory_space<hbm>> -> memref<32x768xf32, #tpu.memory_space<hbm>>
    %dma_wait3A_89 = arith.constant 64 : i32
    %dma_wait3A_90 = arith.constant 0 : i32
    %dma_wait3A_91 = tpu.memref_slice %arg6[%dma_wait3A_89, %dma_wait3A_90] : memref<128x768xf32, #tpu.memory_space<vmem>> -> memref<32x768xf32, #tpu.memory_space<vmem>>
    tpu.wait_dma2 semaphore(%dma_wait3A_86 : memref<!tpu.dma_semaphore, #tpu.memory_space<semaphore_mem>>) src(%dma_wait3A_91 : memref<32x768xf32, #tpu.memory_space<vmem>>) dst(%dma_wait3A_88 : memref<32x768xf32, #tpu.memory_space<hbm>>)
    %add3A_92 = arith.constant 6144 : i32
    %add3A_93 = arith.addi %add3A_92, %mul3A_2 : i32
    %add3A_94 = arith.constant 32 : i32
    %add3A_95 = arith.addi %add3A_93, %add3A_94 : i32
    %dma_wait3A_96 = arith.constant 3 : i32
    %dma_wait3A_97 = arith.constant 96 : i32
    %dma_wait3A_98 = arith.constant 0 : i32
    %dma_wait3A_99 = tpu.memref_slice %arg6[%dma_wait3A_97, %dma_wait3A_98] : memref<128x768xf32, #tpu.memory_space<vmem>> -> memref<32x768xf32, #tpu.memory_space<vmem>>
    %dma_wait3A_100 = arith.constant 0 : i32
    %dma_wait3A_101 = tpu.memref_slice %arg4[%add3A_95, %dma_wait3A_100] : memref<8192x768xf32, #tpu.memory_space<hbm>> -> memref<32x768xf32, #tpu.memory_space<hbm>>
    %dma_wait3A_102 = tpu.memref_slice %arg8[%dma_wait3A_96] : memref<4x!tpu.dma_semaphore, #tpu.memory_space<semaphore_mem>> -> memref<1x!tpu.dma_semaphore, #tpu.memory_space<semaphore_mem>>
    %dma_wait3A_103 = tpu.memref_squeeze %dma_wait3A_102 : memref<1x!tpu.dma_semaphore, #tpu.memory_space<semaphore_mem>> -> memref<!tpu.dma_semaphore, #tpu.memory_space<semaphore_mem>>
    %dma_wait3A_104 = arith.constant 0 : i32
    %dma_wait3A_105 = tpu.memref_slice %arg4[%add3A_95, %dma_wait3A_104] : memref<8192x768xf32, #tpu.memory_space<hbm>> -> memref<32x768xf32, #tpu.memory_space<hbm>>
    %dma_wait3A_106 = arith.constant 96 : i32
    %dma_wait3A_107 = arith.constant 0 : i32
    %dma_wait3A_108 = tpu.memref_slice %arg6[%dma_wait3A_106, %dma_wait3A_107] : memref<128x768xf32, #tpu.memory_space<vmem>> -> memref<32x768xf32, #tpu.memory_space<vmem>>
    tpu.wait_dma2 semaphore(%dma_wait3A_103 : memref<!tpu.dma_semaphore, #tpu.memory_space<semaphore_mem>>) src(%dma_wait3A_108 : memref<32x768xf32, #tpu.memory_space<vmem>>) dst(%dma_wait3A_105 : memref<32x768xf32, #tpu.memory_space<hbm>>)
    return
  }
}

module attributes {stable_mosaic.version = 14 : i64} {
  func.func @_tc_ln_body(%arg0: i32, %arg1: memref<2048x768xf32, #tpu.memory_space<vmem>>, %arg2: memref<2048x768xf32, #tpu.memory_space<vmem>>, %arg3: memref<1x768xf32, #tpu.memory_space<vmem>>, %arg4: memref<1x768xf32, #tpu.memory_space<vmem>>, %arg5: memref<2048x768xf32, #tpu.memory_space<vmem>>) attributes {dimension_semantics = [#tpu.dimension_semantics<arbitrary>], iteration_bounds = array<i64: 4>, scalar_prefetch = 0 : i64, scratch_operands = 0 : i64, tpu.core_type = #tpu.core_type<tc>, window_params = [{transform_indices = @transform_0, window_bounds = array<i64: 2048, 768>}, {transform_indices = @transform_1, window_bounds = array<i64: 2048, 768>}, {pipeline_mode = #tpu.pipeline_mode<synchronous>, transform_indices = @transform_2, window_bounds = array<i64: 1, 768>}, {pipeline_mode = #tpu.pipeline_mode<synchronous>, transform_indices = @transform_3, window_bounds = array<i64: 1, 768>}, {transform_indices = @transform_4, window_bounds = array<i64: 2048, 768>}]} {
    %get3A = arith.constant 0 : index
    %get3A_0 = arith.constant 0 : index
    %get3A_1 = vector.load %arg1[%get3A, %get3A_0] : memref<2048x768xf32, #tpu.memory_space<vmem>>, vector<2048x768xf32>
    %get3A_2 = arith.constant 0 : index
    %get3A_3 = arith.constant 0 : index
    %get3A_4 = vector.load %arg2[%get3A_2, %get3A_3] : memref<2048x768xf32, #tpu.memory_space<vmem>>, vector<2048x768xf32>
    %add3A = arith.addf %get3A_1, %get3A_4 : vector<2048x768xf32>
    %reduce_sum3A = arith.constant dense<0.000000e+00> : vector<2048xf32>
    %reduce_sum3A_5 = vector.multi_reduction <add>, %add3A, %reduce_sum3A [1] : vector<2048x768xf32> to vector<2048xf32>
    %broadcast_in_dim3A = vector.shape_cast %reduce_sum3A_5 : vector<2048xf32> to vector<2048x1xf32>
    %div3A = arith.constant 7.680000e+02 : f32
    %div3A_6 = vector.broadcast %div3A : f32 to vector<2048x1xf32>
    %div3A_7 = arith.divf %broadcast_in_dim3A, %div3A_6 : vector<2048x1xf32>
    %sub3A = vector.broadcast %div3A_7 : vector<2048x1xf32> to vector<2048x768xf32>
    %sub3A_8 = arith.subf %add3A, %sub3A : vector<2048x768xf32>
    %mul3A = arith.mulf %sub3A_8, %sub3A_8 : vector<2048x768xf32>
    %reduce_sum3A_9 = arith.constant dense<0.000000e+00> : vector<2048xf32>
    %reduce_sum3A_10 = vector.multi_reduction <add>, %mul3A, %reduce_sum3A_9 [1] : vector<2048x768xf32> to vector<2048xf32>
    %broadcast_in_dim3A_11 = vector.shape_cast %reduce_sum3A_10 : vector<2048xf32> to vector<2048x1xf32>
    %div3A_12 = arith.constant 7.680000e+02 : f32
    %div3A_13 = vector.broadcast %div3A_12 : f32 to vector<2048x1xf32>
    %div3A_14 = arith.divf %broadcast_in_dim3A_11, %div3A_13 : vector<2048x1xf32>
    %add3A_15 = arith.constant 9.99999996E-13 : f32
    %add3A_16 = vector.broadcast %add3A_15 : f32 to vector<2048x1xf32>
    %add3A_17 = arith.addf %div3A_14, %add3A_16 : vector<2048x1xf32>
    %rsqrt3A = math.rsqrt %add3A_17 : vector<2048x1xf32>
    %mul3A_18 = vector.broadcast %rsqrt3A : vector<2048x1xf32> to vector<2048x768xf32>
    %mul3A_19 = arith.mulf %sub3A_8, %mul3A_18 : vector<2048x768xf32>
    %get3A_20 = arith.constant 0 : index
    %get3A_21 = arith.constant 0 : index
    %get3A_22 = vector.load %arg3[%get3A_20, %get3A_21] : memref<1x768xf32, #tpu.memory_space<vmem>>, vector<1x768xf32>
    %mul3A_23 = vector.broadcast %get3A_22 : vector<1x768xf32> to vector<2048x768xf32>
    %mul3A_24 = arith.mulf %mul3A_19, %mul3A_23 : vector<2048x768xf32>
    %get3A_25 = arith.constant 0 : index
    %get3A_26 = arith.constant 0 : index
    %get3A_27 = vector.load %arg4[%get3A_25, %get3A_26] : memref<1x768xf32, #tpu.memory_space<vmem>>, vector<1x768xf32>
    %add3A_28 = vector.broadcast %get3A_27 : vector<1x768xf32> to vector<2048x768xf32>
    %add3A_29 = arith.addf %mul3A_24, %add3A_28 : vector<2048x768xf32>
    %swap3A = arith.constant 0 : index
    %swap3A_30 = arith.constant 0 : index
    %swap3A_31 = vector.load %arg5[%swap3A, %swap3A_30] : memref<2048x768xf32, #tpu.memory_space<vmem>>, vector<2048x768xf32>
    tpu.vector_store %arg5[%swap3A, %swap3A_30], %add3A_29 {strides = array<i32>} : memref<2048x768xf32, #tpu.memory_space<vmem>>, vector<2048x768xf32>,
    return
  }
  func.func @transform_0(%arg0: i32) -> (i32, i32) {
    %c0_i32 = arith.constant 0 : i32
    %c0_i32_0 = arith.constant 0 : i32
    return %arg0, %c0_i32 : i32, i32
  }
  func.func @transform_1(%arg0: i32) -> (i32, i32) {
    %jit3A = arith.constant 1 : i32
    %eq3A = arith.constant 0 : i32
    %eq3A_0 = arith.cmpi eq, %jit3A, %eq3A : i32
    %jit3A_1 = arith.constant 1 : i32
    %select_n3A = arith.select %eq3A_0, %jit3A_1, %jit3A : i32
    %rem3A = arith.remsi %arg0, %select_n3A : i32
    %ne3A = arith.constant 0 : i32
    %ne3A_2 = arith.cmpi ne, %rem3A, %ne3A : i32
    %lt3A = arith.constant 0 : i32
    %lt3A_3 = arith.cmpi slt, %rem3A, %lt3A : i32
    %lt3A_4 = arith.constant 0 : i32
    %lt3A_5 = arith.cmpi slt, %select_n3A, %lt3A_4 : i32
    %ne3A_6 = arith.xori %lt3A_3, %lt3A_5 : i1
    %and3A = arith.andi %ne3A_6, %ne3A_2 : i1
    %add3A = arith.addi %rem3A, %select_n3A : i32
    %select_n3A_7 = arith.select %and3A, %add3A, %rem3A : i32
    %c0_i32 = arith.constant 0 : i32
    %c0_i32_8 = arith.constant 0 : i32
    return %select_n3A_7, %c0_i32 : i32, i32
  }
  func.func @transform_2(%arg0: i32) -> (i32, i32) {
    %c0_i32 = arith.constant 0 : i32
    %c0_i32_0 = arith.constant 0 : i32
    %c0_i32_1 = arith.constant 0 : i32
    return %c0_i32, %c0_i32_0 : i32, i32
  }
  func.func @transform_3(%arg0: i32) -> (i32, i32) {
    %c0_i32 = arith.constant 0 : i32
    %c0_i32_0 = arith.constant 0 : i32
    %c0_i32_1 = arith.constant 0 : i32
    return %c0_i32, %c0_i32_0 : i32, i32
  }
  func.func @transform_4(%arg0: i32) -> (i32, i32) {
    %c0_i32 = arith.constant 0 : i32
    %c0_i32_0 = arith.constant 0 : i32
    return %arg0, %c0_i32 : i32, i32
  }
}

</mosaic_0001>

<sc_bundles>
// kernel: kernel.4.cloned.1.call-start
scs
__scs_entry_jumppad:
0x0: {  	(pc) =	sbr.rel $0x88, $3  }
0x1: {  	(tag) =	ssettag $0x0;
	lr =	simm.s32 $0x1  }
0x2: {  	[smem:$0x3F9C] =	sst lr;
	_ =	strace $0xD0000000  }
0x3: {  	_ = 	snop  }
0x4: {  	_ = 	snop  }
0x5: {  	_ = 	snop  }
0x6: {  	_ = 	snop  }
0x7: {  	_ = 	snop  }
__scs_overlays_trampoline_lowered:
0x8: {  	[smem:$0x3FAB] =	sst s0  }
0x9: {  	[smem:$0x3FAC] =	sst s1  }
0xa: {  	[smem:$0x3FAD] =	sst s2  }
0xb: {  	[smem:$0x3FAE] =	sst s3  }
0xc: {  	[smem:$0x3FAF] =	sst s4  }
0xd: {  	[smem:$0x3FB0] =	sst s5  }
0xe: {  	[smem:$0x3FB1] =	sst s6  }
0xf: {  	[smem:$0x3FB2] =	sst s7  }
0x10: {  	[smem:$0x3FB3] =	sst s8  }
0x11: {  	[smem:$0x3FB4] =	sst s9;
	s0 =	simm.s32 @!p0 $0x0  }
0x12: {  	s1 =	sld [smem:$0x3F9A];
	s0 =	simm.s32 @p0 $0x1  }
0x13: {  	[smem:$0x3FB5] =	sst s0;
	s0 =	simm.s32 @!p1 $0x0  }
0x14: {  	s2 =	sld [smem:$0x3F99];
	s0 =	simm.s32 @p1 $0x1  }
0x15: {  	[smem:$0x3FB6] =	sst s0;
	s0 =	simm.s32 @!p2 $0x0  }
0x16: {  	s3 =	sld [smem:$0x3FDB];
	s0 =	simm.s32 @p2 $0x1  }
0x17: {  	s4 =	simm.s32 $0x1BF5;
	[smem:$0x3FB8] =	sst s0  }
0x18: {  	s0 =	sld [smem:$0x3F9B];
	_ =	swait.ge [sflag:s4], $0x0  }
0x19: {  	s7 =	sld [smem:$0x3F9C]  }
0x1a: {  	s8 =	sadd.s32 $0xFFFFE003, lr  }
0x1b: {  	s9 =	sadd.s32 $0xFFFFFEF7, lr;
	s5 =	simm.s32 $0xFFFFFFFF;
	p2 =	slt.u32 s8, $0xFFFFF086  }
0x1c: {  	p1 =	slt.u32 s9, $0xF7A;
	s5 =	simm.s32 @!p2 $0x0  }
0x1d: {  	s5 =	simm.s32 @p1 $0x1;
	p0 =	seq.s32 s7, s2  }
0x1e: {  	s7 =	smul.u32 @!p0 $0xF7A, s2;
	p2 =	seq.s32 @!p0 s5, $0x0  }
0x1f: {  	s9 =	smul.u32 $0xF7A, s1;
	s8 =	simm.s32 @!p0 $0x1BF5;
	p2 =	por !p2, p0  }
0x20: {  	[sflag:s8] =	ssyncset.s32 @!p0 $0xFFFFF086;
	s6 =	sadd.s32 @!p0 s3, s7;
	s7 =	simm.s32 @!p0 $0x108  }
0x21: {  	s3 =	sadd.s32 s3, s9;
	s6 =	sadd.s32 @!p0 $0x88, s6;
	s7 =	simm.s32 @p2 $0x1082  }
0x22: {  	[simem:s7], [sflag:s8] =	dma.local @!p0 [hbm:s6], $0xF7A  }
0x23: {  	s9 =	sor.u32 $0xD0000000, s2;
	s6 =	simm.s32 $0x108;
	_ =	swait.ge @!p0 [sflag:s8], $0x0  }
0x24: {  	s3 =	sadd.s32 $0x88, s3;
	s6 =	simm.s32 @!p1 $0x1082;
	[sflag:s4] =	ssyncset.s32 $0xFFFFF086  }
0x25: {  	[simem:s6], [sflag:s4] =	dma.local [hbm:s3], $0xF7A  }
0x26: {  	[smem:$0x3F9C] =	sst s1;
	(tag) =	ssettag s2;
	_ =	strace s9  }
0x27: {  	s1 =	sld [smem:$0x3FAC]  }
0x28: {  	s2 =	sld [smem:$0x3FAD]  }
0x29: {  	s4 =	sld [smem:$0x3FAF]  }
0x2a: {  	p0 =	seq.s32 s5, $0x0;
	s5 =	sld [smem:$0x3FB0]  }
0x2b: {  	s6 =	sld [smem:$0x3FB1]  }
0x2c: {  	s7 =	sld [smem:$0x3FB2]  }
0x2d: {  	s3 =	simm.s32 $0x108;
	s8 =	sld [smem:$0x3FB3]  }
0x2e: {  	s3 =	simm.s32 @!p0 $0x1082;
	s9 =	sld [smem:$0x3FB4]  }
0x2f: {  	lr =	sadd.s32 s0, s3;
	s0 =	sld [smem:$0x3FAB]  }
0x30: {  	s3 =	sld [smem:$0x3FAE]  }
0x31: {  	[smem:$0x3FB7] =	sst s10  }
0x32: {  	s10 =	sld [smem:$0x3FB5];
	_ =	sdelay $0x3  }
0x33: {  	p0 =	seq.s32 s10, $0x1;
	s10 =	sld [smem:$0x3FB7];
	_ =	sdelay $0x3  }
0x34: {  	[smem:$0x3FB7] =	sst s10  }
0x35: {  	s10 =	sld [smem:$0x3FB6];
	_ =	sdelay $0x3  }
0x36: {  	p1 =	seq.s32 s10, $0x1;
	s10 =	sld [smem:$0x3FB7];
	_ =	sdelay $0x3  }
0x37: {  	[smem:$0x3FB7] =	sst s10  }
0x38: {  	s10 =	sld [smem:$0x3FB8]  }
0x39: {  	_ = 	snop;
	(pc) =	sbr.ind lr, $3  }
0x3a: {  	_ = 	snop  }
0x3b: {  	_ = 	snop  }
0x3c: {  	p2 =	seq.s32 s10, $0x1;
	s10 =	sld [smem:$0x3FB7]  }
0x3d: {  	_ =	shalt  }
0x3e: {  	_ =	shalt  }
0x3f: {  	_ =	shalt  }
0x40: {  	_ =	shalt  }
0x41: {  	_ =	shalt  }
0x42: {  	_ =	shalt  }
0x43: {  	_ =	shalt  }
0x44: {  	_ =	shalt  }
0x45: {  	_ =	shalt  }
0x46: {  	_ =	shalt  }
0x47: {  	_ =	shalt  }
0x48: {  	_ =	shalt  }
0x49: {  	_ =	shalt  }
0x4a: {  	_ =	shalt  }
0x4b: {  	_ =	shalt  }
0x4c: {  	_ =	shalt  }
0x4d: {  	_ =	shalt  }
0x4e: {  	_ =	shalt  }
0x4f: {  	_ =	shalt  }
0x50: {  	_ =	shalt  }
0x51: {  	_ =	shalt  }
0x52: {  	_ =	shalt  }
0x53: {  	_ =	shalt  }
0x54: {  	_ =	shalt  }
0x55: {  	_ =	shalt  }
0x56: {  	_ =	shalt  }
0x57: {  	_ =	shalt  }
0x58: {  	_ =	shalt  }
0x59: {  	_ =	shalt  }
0x5a: {  	_ =	shalt  }
0x5b: {  	_ =	shalt  }
0x5c: {  	_ =	shalt  }
0x5d: {  	_ =	shalt  }
0x5e: {  	_ =	shalt  }
0x5f: {  	_ =	shalt  }
0x60: {  	_ =	shalt  }
0x61: {  	_ =	shalt  }
0x62: {  	_ =	shalt  }
0x63: {  	_ =	shalt  }
0x64: {  	_ =	shalt  }
0x65: {  	_ =	shalt  }
0x66: {  	_ =	shalt  }
0x67: {  	_ =	shalt  }
0x68: {  	_ =	shalt  }
0x69: {  	_ =	shalt  }
0x6a: {  	_ =	shalt  }
0x6b: {  	_ =	shalt  }
0x6c: {  	_ =	shalt  }
0x6d: {  	_ =	shalt  }
0x6e: {  	_ =	shalt  }
0x6f: {  	_ =	shalt  }
0x70: {  	_ =	shalt  }
0x71: {  	_ =	shalt  }
0x72: {  	_ =	shalt  }
0x73: {  	_ =	shalt  }
0x74: {  	_ =	shalt  }
0x75: {  	_ =	shalt  }
0x76: {  	_ =	shalt  }
0x77: {  	_ =	shalt  }
0x78: {  	_ =	shalt  }
0x79: {  	_ =	shalt  }
0x7a: {  	_ =	shalt  }
0x7b: {  	_ =	shalt  }
0x7c: {  	_ =	shalt  }
0x7d: {  	_ =	shalt  }
0x7e: {  	_ =	shalt  }
0x7f: {  	_ =	shalt  }
0x80: {  	_ =	shalt  }
0x81: {  	_ =	shalt  }
0x82: {  	_ =	shalt  }
0x83: {  	_ =	shalt  }
0x84: {  	_ =	shalt  }
0x85: {  	_ =	shalt  }
0x86: {  	_ =	shalt  }
0x87: {  	_ =	shalt  }
.Lfunc_end0:
.L_simem_size_0:
called_computation_lowered:
.L_overlay_start_0:
0x88: {  	s2 =	sld [smem:$0x3FD9]  }
0x89: {  	s3 =	sld [smem:$0x3FFE];
	_ =	sdelay $0x1  }
0x8a: {  	s1 =	srdreg.scid  }
0x8b: {  	s0 =	sand.u32 $0x1, s1  }
0x8c: {  	s17 =	sshll.u32 s0, $0xA;
	s2 =	sadd.s32 s3, s2  }
0x8d: {  	s2 =	sadd.s32 s2, s17  }
0x8e: {  	[smem:$0x3FC3] =	sst s2  }
0x8f: {  	_ = 	snop  }
0x90: {  	s2 =	sld [smem:$0x3FC8]  }
0x91: {  	s18 =	sld [smem:$0x3FD0];
	(tm) =	ssettm $0x1  }
0x92: {  	s4 =	sld [smem:$0x3FFB];
	_ =	sdelay $0x3  }
0x93: {  	_ =	strace s4  }
0x94: {  	s4 =	sld [smem:$0x3FFC];
	_ =	sdelay $0x3  }
0x95: {  	_ =	strace s4  }
0x96: {  	s4 =	sld [smem:$0x3FFD];
	_ =	sdelay $0x3  }
0x97: {  	_ =	strace s4  }
0x98: {  	_ =	strace $0x8FFFFFFF  }
0x99: {  	s19 =	sld [smem:$0x3FDB];
	_ =	sdelay $0x1  }
0x9a: {  	s5 =	simm.s32 $_scs_section_size  }
0x9b: {  	s6 =	simm.s32 $_size__tile_overlayer_lowered;
	s7 =	simm.s32 $_tile_overlayer_lowered  }
0x9c: {  	s22 =	simm.s32 $0x1BFF;
	s21 =	sshll.u32 s7, $0x1;
	s4 =	sadd.s32 s5, s19  }
0x9d: {  	s8 =	simm.s32 $0x0;
	s20 =	sshll.u32 s6, $0x1;
	s6 =	sadd.s32 s21, s4  }
0x9e: {  	[timem:s8], [sflag:s22] =	dma.local [hbm:s6], s20  }
0x9f: {  	_ =	swait.ge [sflag:s22], s20  }
0xa0: {  	s5 =	ssub.s32 $0x0, s20;
	[sflag:s22] =	ssyncset.done $0x0  }
0xa1: {  	[sflag:s22] =	ssyncadd.s32 s5;
	_ =	sdelay $0x1  }
0xa2: {  	s23 =	simm.s32 $0x1B8B  }
0xa3: {  	_ =	swait.ge [sflag:s23], $0x1  }
0xa4: {  	[sflag:s23] =	ssyncset.done $0x0  }
0xa5: {  	s25 =	simm.s32 $0x1B8E;
	s24 =	sld [smem:$0x3FFE];
	[sflag:s23] =	ssyncadd.s32 $0xFFFFFFFF  }
0xa6: {  	s26 =	simm.s32 $execute0_lowered;
	[smem:$0x3FD2] =	sst s25  }
0xa7: {  	s6 =	sshll.u32 s26, $0x1;
	_ =	strace $0x80000046;
	[dreg:$0x1] =	wrdreg $0xFFFFFFFF  }
0xa8: {  	s28 =	simm.s32 $_size_execute0_lowered;
	s4 =	sadd.s32 s4, s6;
	[dreg:$0x0] =	wrdreg $0x0  }
0xa9: {  	s6 =	sshll.u32 s28, $0x1;
	[dreg:$0x2] =	wrdreg s4  }
0xaa: {  	[dreg:$0x3] =	wrdreg s6  }
0xab: {  	[dreg:$0x4] =	wrdreg $0xC0  }
0xac: {  	_ =	task [dreg:s8], $0x5FFFF  }
0xad: {  	[dreg:$0x1] =	wrdreg $0xFFFFFFFF  }
0xae: {  	[dreg:$0x0] =	wrdreg $0x60  }
0xaf: {  	[dreg:$0x2] =	wrdreg s18  }
0xb0: {  	[dreg:$0x3] =	wrdreg s2  }
0xb1: {  	[dreg:$0x4] =	wrdreg s24  }
0xb2: {  	[dreg:$0x5] =	wrdreg $0x9  }
0xb3: {  	_ =	task.clear_ibuf [dreg:s8], $0x6FFFF;
	_ =	strace $0x90000046  }
0xb4: {  	s29 =	simm.s32 $0x9;
	_ =	strace $0x80000048  }
0xb5: {  	_ =	swait.ge [sflag:s29], $0x1  }
0xb6: {  	[sflag:s29] =	ssyncadd.s32 $0xFFFFFFFF  }
0xb7: {  	_ =	strace $0x90000048  }
0xb8: {  	_ =	sfence  }
0xb9: {  	s30 =	sld [smem:$0x0];
	_ =	sdelay $0x2  }
0xba: {  	s31 =	sshll.u32 s1, $0xD;
	s1 =	sshrl.u32 s1, $0x2  }
0xbb: {  	s3 =	sand.u32 $0x4000, s31;
	s1 =	sadd.s32 s1, s30  }
0xbc: {  	s0 =	sor.u32 s3, s0;
	s1 =	sshll.u32 s1, $0x11  }
0xbd: {  	s0 =	sor.u32 s1, s0  }
0xbe: {  	s0 =	sadd.s32 $0x8F2B, s0  }
0xbf: {  	[sflag:s0] =	ssyncadd.remote.s32 $0x1  }
0xc0: {  	_ =	sfence.sel $0xFFFF  }
0xc1: {  	[dreg:$0x0] =	wrdreg $0xFFFFFFFF;
	(pc) =	sbr.abs _section_cstart, $3  }
0xc2: {  	[dreg:$0x1] =	wrdreg $0xFFFFFFFF  }
0xc3: {  	_ =	task.clear_ibuf [dreg:s8], $0x2FFFF;
	_ =	strace $0x9FFFFFFF  }
0xc4: {  	(tm) =	ssettm $0x7FFFFFFF  }
0xc5: {  	_ =	shalt  }
tec
execute0_lowered:
.L_overlay_start_1:
0x0: {  	(tag) =	ssettag $0x1  }
0x1: {  	s1 =	rddreg [dreg:$0x0]  }
0x2: {  	s2 =	rddreg [dreg:$0x1]  }
0x3: {  	s0 =	rddreg [dreg:$0x2];
	s4 =	simm.s32 $0x0;
	s3 =	srdreg.scid  }
0x4: {  	s5 =	stileid.u32;
	s12 =	simm.s32 $0x9;
	s30 =	simm.s32 $0x7A00  }
0x5: {  	s31 =	simm.s32 $0x8200;
	s13 =	simm.s32 $0x9A00;
	s14 =	simm.s32 $0xA200  }
0x6: {  	s15 =	simm.s32 $0xAA00;
	s16 =	simm.s32 $0xB200;
	s17 =	simm.s32 $0xBA00  }
0x7: {  	s18 =	simm.s32 $0x5;
	s19 =	simm.s32 $0x6;
	s20 =	simm.s32 $0x7  }
0x8: {  	s21 =	simm.s32 $0x8;
	s22 =	simm.s32 $0x0;
	[smem:$0x7FF] =	sst s4  }
0x9: {  	s3 =	sand.u32 $0x1, s3;
	s5 =	sshll.u32 s5, $0x7;
	s6 =	sadd.s32 $0xA00, s0  }
.Ltmp0:
0xa: {  	s7 =	ssub.s32 $0x2, s3;
	s3 =	sshll.u32 s3, $0x6;
	(pc) =	sbr.rel .LBB2_1-.Ltmp0, $4  }
0xb: {  	s9 =	sadd.s32 $0x200, s2;
	s0 =	simm.s32 $0x8A00;
	s5 =	sor.u32 s3, s5  }
0xc: {  	v2 =	vlaneseq.u32;
	_ =	strace $0x80000047;
	s8 =	sshrl.u32 s7, $0x1;
	s3 =	sshrl.u32 s5, $0x3  }
0xd: {  	vm0 =	vmmov $0xffff;
	v1 =	vshrl.u32 v2, $0x3;
	s29 =	ssub.s32 s7, s8;
	s8 =	sadd.s32 $0x100, s2;
	s7 =	sadd.s32 s1, s3  }
0xe: {  	v0 =	vand.u32 $0x7, v2;
	v2 =	vor.u32 $0x8, v2;
	v1 =	vmul.u32 $0x8, v1;
	s11 =	smax.u32 s29, $0x1;
	s3 =	simm.s32 $0x9200;
	s10 =	sadd.s32 $0x100, s7  }
.LBB2_5:
0xf: {  	_ =	swait.ge [sflag:s18], $0x6000  }
0x10: {  	[sflag:s18] =	ssyncset.done $0x0  }
0x11: {  	[sflag:s18] =	ssyncadd.s32 $0xFFFFA000  }
0x12: {  	_ =	swait.ge [sflag:s19], $0x6000  }
0x13: {  	[sflag:s19] =	ssyncset.done $0x0  }
0x14: {  	s22 =	sadd.s32 $0x1, s22;
	[sflag:s19] =	ssyncadd.s32 $0xFFFFA000  }
0x15: {  	p0 =	sne.s32 s22, s11;
	_ =	swait.ge [sflag:s20], $0x6000  }
.Ltmp1:
0x16: {  	[sflag:s20] =	ssyncset.done $0x0;
	(pc) =	sbr.rel @!p0 .LBB2_6-.Ltmp1, $4  }
0x17: {  	[sflag:s20] =	ssyncadd.s32 $0xFFFFA000  }
0x18: {  	_ =	swait.ge [sflag:s21], $0x6000  }
0x19: {  	[sflag:s21] =	ssyncset.done $0x0  }
0x1a: {  	[sflag:s21] =	ssyncadd.s32 $0xFFFFA000  }
.LBB2_1:
0x1b: {  	[tilespmem:s4], [sflag:$0x9] =	stream.linear.gather [hbm4b:s7+s4], $0x20, $0x38;
	[tilespmem:$0x18200] =	vst v63  }
0x1c: {  	_ =	swait.ge [sflag:s12], $0x20  }
0x1d: {  	[sflag:s12] =	ssyncset.done $0x0  }
0x1e: {  	[sflag:s12] =	ssyncadd.s32 $0xFFFFFFE0  }
0x1f: {  	v3 =	vld [tilespmem:$0x0];
	_ =	sdelay $0x4  }
0x20: {  	v4 =	vshrl.u32 v3, $0x3  }
0x21: {  	v4 =	vmul.u32 $0x30, v4  }
0x22: {  	v3 =	vand.u32 $0x7, v3  }
0x23: {  	v3 =	vor.u32 v3, v4  }
0x24: {  	v4 =	vperm.xlane v3, v0;
	_ =	sdelay $0x1  }
0x25: {  	v4 =	vadd.s32 v1, v4;
	_ =	sdelay $0x3  }
0x26: {  	s23 =	simm.s32 $0x200;
	v3 =	vperm.xlane v3, v2  }
0x27: {  	[tilespmem:s23], [sflag:$0x1] =	stream.indirect_vreg.gather [hbm4b:s2+s4], $0x80, v4, vm0, $0xb8;
	[tilespmem:$0x18200] =	vst v63  }
0x28: {  	s24 =	simm.s32 $0xA00;
	v3 =	vadd.s32 v1, v3  }
0x29: {  	[tilespmem:s24], [sflag:$0x1] =	stream.indirect_vreg.gather [hbm4b:s8+s4], $0x80, v4, vm0, $0xb8;
	[tilespmem:$0x18200] =	vst v63  }
0x2a: {  	s25 =	simm.s32 $0x1200  }
0x2b: {  	[tilespmem:s25], [sflag:$0x1] =	stream.indirect_vreg.gather [hbm4b:s9+s4], $0x80, v4, vm0, $0xb8;
	[tilespmem:$0x18200] =	vst v63  }
0x2c: {  	s26 =	simm.s32 $0x1A00  }
0x2d: {  	[tilespmem:s26], [sflag:$0x1] =	stream.indirect_vreg.gather [hbm4b:s2+s4], $0x80, v3, vm0, $0xb8;
	[tilespmem:$0x18200] =	vst v63  }
0x2e: {  	s28 =	simm.s32 $0x2200  }
0x2f: {  	[tilespmem:s28], [sflag:$0x1] =	stream.indirect_vreg.gather [hbm4b:s8+s4], $0x80, v3, vm0, $0xb8;
	[tilespmem:$0x18200] =	vst v63  }
0x30: {  	s29 =	simm.s32 $0x2A00  }
0x31: {  	[tilespmem:s29], [sflag:$0x1] =	stream.indirect_vreg.gather [hbm4b:s9+s4], $0x80, v3, vm0, $0xb8;
	[tilespmem:$0x18200] =	vst v63  }
0x32: {  	v3 =	vld [tilespmem:$0x10];
	_ =	sdelay $0x4  }
0x33: {  	v61 =	vshrl.u32 v3, $0x3  }
0x34: {  	v4 =	vmul.u32 $0x30, v61  }
0x35: {  	v3 =	vand.u32 $0x7, v3  }
0x36: {  	v3 =	vor.u32 v3, v4  }
0x37: {  	v4 =	vperm.xlane v3, v0;
	_ =	sdelay $0x1  }
0x38: {  	v4 =	vadd.s32 v1, v4;
	_ =	sdelay $0x3  }
0x39: {  	s24 =	simm.s32 $0x3200;
	v3 =	vperm.xlane v3, v2  }
0x3a: {  	[tilespmem:s24], [sflag:$0x1] =	stream.indirect_vreg.gather [hbm4b:s2+s4], $0x80, v4, vm0, $0xb8;
	[tilespmem:$0x18200] =	vst v63  }
0x3b: {  	s25 =	simm.s32 $0x3A00;
	v3 =	vadd.s32 v1, v3  }
0x3c: {  	[tilespmem:s25], [sflag:$0x1] =	stream.indirect_vreg.gather [hbm4b:s8+s4], $0x80, v4, vm0, $0xb8;
	[tilespmem:$0x18200] =	vst v63  }
0x3d: {  	s26 =	simm.s32 $0x4200  }
0x3e: {  	[tilespmem:s26], [sflag:$0x1] =	stream.indirect_vreg.gather [hbm4b:s9+s4], $0x80, v4, vm0, $0xb8;
	[tilespmem:$0x18200] =	vst v63  }
0x3f: {  	s28 =	simm.s32 $0x4A00  }
0x40: {  	[tilespmem:s28], [sflag:$0x1] =	stream.indirect_vreg.gather [hbm4b:s2+s4], $0x80, v3, vm0, $0xb8;
	[tilespmem:$0x18200] =	vst v63  }
0x41: {  	s29 =	simm.s32 $0x5200  }
0x42: {  	[tilespmem:s29], [sflag:$0x1] =	stream.indirect_vreg.gather [hbm4b:s8+s4], $0x80, v3, vm0, $0xb8;
	[tilespmem:$0x18200] =	vst v63  }
0x43: {  	s24 =	simm.s32 $0x5A00  }
0x44: {  	[tilespmem:s24], [sflag:$0x1] =	stream.indirect_vreg.gather [hbm4b:s9+s4], $0x80, v3, vm0, $0xb8;
	[tilespmem:$0x18200] =	vst v63  }
0x45: {  	s25 =	simm.s32 $0x80  }
0x46: {  	[tilespmem:s25], [sflag:$0x9] =	stream.linear.gather [hbm4b:s10+s4], $0x20, $0x38;
	[tilespmem:$0x18200] =	vst v63  }
0x47: {  	_ =	swait.ge [sflag:s12], $0x20  }
0x48: {  	[sflag:s12] =	ssyncset.done $0x0  }
0x49: {  	[sflag:s12] =	ssyncadd.s32 $0xFFFFFFE0  }
0x4a: {  	v3 =	vld [tilespmem:$0x80];
	_ =	sdelay $0x4  }
0x4b: {  	v62 =	vshrl.u32 v3, $0x3  }
0x4c: {  	v4 =	vmul.u32 $0x30, v62  }
0x4d: {  	v3 =	vand.u32 $0x7, v3  }
0x4e: {  	v3 =	vor.u32 v3, v4  }
0x4f: {  	v4 =	vperm.xlane v3, v0;
	_ =	sdelay $0x1  }
0x50: {  	v4 =	vadd.s32 v1, v4;
	_ =	sdelay $0x3  }
0x51: {  	s26 =	simm.s32 $0x6200;
	v3 =	vperm.xlane v3, v2  }
0x52: {  	[tilespmem:s26], [sflag:$0x2] =	stream.indirect_vreg.gather [hbm4b:s2+s4], $0x80, v4, vm0, $0xb8;
	[tilespmem:$0x18200] =	vst v63  }
0x53: {  	s28 =	simm.s32 $0x6A00;
	v3 =	vadd.s32 v1, v3  }
0x54: {  	[tilespmem:s28], [sflag:$0x2] =	stream.indirect_vreg.gather [hbm4b:s8+s4], $0x80, v4, vm0, $0xb8;
	[tilespmem:$0x18200] =	vst v63  }
0x55: {  	s29 =	simm.s32 $0x7200  }
0x56: {  	[tilespmem:s29], [sflag:$0x2] =	stream.indirect_vreg.gather [hbm4b:s9+s4], $0x80, v4, vm0, $0xb8;
	[tilespmem:$0x18200] =	vst v63  }
0x57: {  	_ = 	snop  }
0x58: {  	[tilespmem:s30], [sflag:$0x2] =	stream.indirect_vreg.gather [hbm4b:s2+s4], $0x80, v3, vm0, $0xb8;
	[tilespmem:$0x18200] =	vst v63  }
0x59: {  	_ = 	snop  }
0x5a: {  	[tilespmem:s31], [sflag:$0x2] =	stream.indirect_vreg.gather [hbm4b:s8+s4], $0x80, v3, vm0, $0xb8;
	[tilespmem:$0x18200] =	vst v63  }
0x5b: {  	_ = 	snop  }
0x5c: {  	[tilespmem:s0], [sflag:$0x2] =	stream.indirect_vreg.gather [hbm4b:s9+s4], $0x80, v3, vm0, $0xb8;
	[tilespmem:$0x18200] =	vst v63  }
0x5d: {  	v3 =	vld [tilespmem:$0x90];
	_ =	sdelay $0x4  }
0x5e: {  	v63 =	vshrl.u32 v3, $0x3  }
0x5f: {  	v4 =	vmul.u32 $0x30, v63  }
0x60: {  	v3 =	vand.u32 $0x7, v3  }
0x61: {  	v3 =	vor.u32 v3, v4  }
0x62: {  	v4 =	vperm.xlane v3, v0;
	_ =	sdelay $0x1  }
0x63: {  	v4 =	vadd.s32 v1, v4;
	_ =	sdelay $0x3  }
0x64: {  	v3 =	vperm.xlane v3, v2  }
0x65: {  	[tilespmem:s3], [sflag:$0x2] =	stream.indirect_vreg.gather [hbm4b:s2+s4], $0x80, v4, vm0, $0xb8;
	[tilespmem:$0x18200] =	vst v63  }
0x66: {  	v3 =	vadd.s32 v1, v3  }
0x67: {  	[tilespmem:s13], [sflag:$0x2] =	stream.indirect_vreg.gather [hbm4b:s8+s4], $0x80, v4, vm0, $0xb8;
	[tilespmem:$0x18200] =	vst v63  }
0x68: {  	_ = 	snop  }
0x69: {  	[tilespmem:s14], [sflag:$0x2] =	stream.indirect_vreg.gather [hbm4b:s9+s4], $0x80, v4, vm0, $0xb8;
	[tilespmem:$0x18200] =	vst v63  }
0x6a: {  	_ = 	snop  }
0x6b: {  	[tilespmem:s15], [sflag:$0x2] =	stream.indirect_vreg.gather [hbm4b:s2+s4], $0x80, v3, vm0, $0xb8;
	[tilespmem:$0x18200] =	vst v63  }
.Ltmp2:
0x6c: {  	_ = 	snop;
	(pc) =	sbr.rel .LBB2_2-.Ltmp2, $4  }
0x6d: {  	_ = 	snop  }
0x6e: {  	[tilespmem:s16], [sflag:$0x2] =	stream.indirect_vreg.gather [hbm4b:s8+s4], $0x80, v3, vm0, $0xb8;
	[tilespmem:$0x18200] =	vst v63  }
0x6f: {  	s23 =	simm.s32 $0x10;
	s24 =	simm.s32 $0x0  }
0x70: {  	[tilespmem:s17], [sflag:$0x2] =	stream.indirect_vreg.gather [hbm4b:s9+s4], $0x80, v3, vm0, $0xb8;
	[tilespmem:$0x18200] =	vst v63  }
.LBB2_4:
0x71: {  	s25 =	sand.u32 $0x3, s24;
	s26 =	sadd.s32 $0xFFFFFFF0, s23  }
0x72: {  	s28 =	sshll.u32 s25, $0xB;
	s26 =	sand.u32 $0x20, s26  }
0x73: {  	s24 =	sadd.s32 $0x1, s24;
	s26 =	sor.u32 s26, s28  }
0x74: {  	s29 =	smul.u32 $0x18000, s25;
	p0 =	sne.s32 s24, $0x8;
	s26 =	sor.u32 s5, s26  }
.Ltmp3:
0x75: {  	s28 =	sadd.s32 $0x1, s25;
	s26 =	sshrl.u32 s26, $0x3;
	(pc) =	sbr.rel @!p0 .LBB2_5-.Ltmp3, $4  }
0x76: {  	s23 =	sadd.s32 $0x8, s23;
	_ =	swait.ge [sflag:s28], $0x6000;
	s26 =	smul.u32 $0x300, s26  }
0x77: {  	s25 =	sadd.s32 $0x5, s25;
	s29 =	sshrl.u32 s29, $0x2;
	[sflag:s28] =	ssyncset.done $0x0  }
0x78: {  	[sflag:s28] =	ssyncadd.s32 $0xFFFFA000;
	s28 =	sor.u32 $0x200, s29;
	s26 =	sadd.s32 s6, s26  }
0x79: {  	[hbm4b:s26+s4] =	stream.linear.scatter [tilespmem:s28], [sflag:s25], $0x6000, $0x38;
	[tilespmem:$0x18200] =	vst v63  }
.LBB2_2:
0x7a: {  	p0 =	sgt.u32 s24, $0x5  }
.Ltmp4:
0x7b: {  	_ = 	snop;
	(pc) =	sbr.rel @p0 .LBB2_4-.Ltmp4, $1  }
0x7c: {  	_ =	sdelay $0x3  }
0x7d: {  	s25 =	sadd.s32 $0x2, s24  }
0x7e: {  	s25 =	sand.u32 $0x3, s25  }
0x7f: {  	p0 =	slt.u32 s24, $0x2;
	s26 =	sshll.u32 s25, $0xB  }
0x80: {  	s29 =	sand.u32 $0x60, s23;
	s28 =	sadd.s32 @!p0 $0x5, s25;
	s26 =	sor.u32 s5, s26  }
0x81: {  	_ =	swait.ge @!p0 [sflag:s28], $0x6000;
	s26 =	sadd.s32 s29, s26  }
0x82: {  	[sflag:s28] =	ssyncset.done @!p0 $0x0;
	s26 =	sshrl.u32 s26, $0x3  }
0x83: {  	[sflag:s28] =	ssyncadd.s32 @!p0 $0xFFFFA000;
	s28 =	sshll.u32 s25, $0x7;
	s26 =	sadd.s32 s1, s26  }
0x84: {  	[tilespmem:s28], [sflag:$0x9] =	stream.linear.gather [hbm4b:s26+s4], $0x20, $0x38;
	[tilespmem:$0x18200] =	vst v63  }
0x85: {  	_ =	swait.ge [sflag:s12], $0x20  }
0x86: {  	[sflag:s12] =	ssyncset.done $0x0  }
0x87: {  	[sflag:s12] =	ssyncadd.s32 $0xFFFFFFE0  }
0x88: {  	v3 =	vld [tilespmem:s28+$0x0];
	_ =	sdelay $0x4  }
0x89: {  	v4 =	vshrl.u32 v3, $0x3  }
0x8a: {  	v4 =	vmul.u32 $0x30, v4  }
0x8b: {  	v3 =	vand.u32 $0x7, v3  }
0x8c: {  	v3 =	vor.u32 v3, v4  }
0x8d: {  	v4 =	vperm.xlane v3, v0;
	_ =	sdelay $0x1  }
0x8e: {  	v4 =	vadd.s32 v1, v4  }
0x8f: {  	s29 =	smul.u32 $0x18000, s25;
	_ =	sdelay $0x1  }
0x90: {  	s26 =	sshrl.u32 s29, $0x2  }
0x91: {  	s25 =	sadd.s32 $0x1, s25;
	s29 =	sor.u32 $0x200, s26;
	v3 =	vperm.xlane v3, v2  }
0x92: {  	[tilespmem:s29], [sflag:s25] =	stream.indirect_vreg.gather [hbm4b:s2+s4], $0x80, v4, vm0, $0xb8;
	[tilespmem:$0x18200] =	vst v63  }
0x93: {  	v3 =	vadd.s32 v1, v3;
	s29 =	sor.u32 $0xA00, s26  }
0x94: {  	[tilespmem:s29], [sflag:s25] =	stream.indirect_vreg.gather [hbm4b:s8+s4], $0x80, v4, vm0, $0xb8;
	[tilespmem:$0x18200] =	vst v63  }
0x95: {  	s29 =	sor.u32 $0x1200, s26  }
0x96: {  	[tilespmem:s29], [sflag:s25] =	stream.indirect_vreg.gather [hbm4b:s9+s4], $0x80, v4, vm0, $0xb8;
	[tilespmem:$0x18200] =	vst v63  }
0x97: {  	s29 =	sor.u32 $0x1A00, s26  }
0x98: {  	[tilespmem:s29], [sflag:s25] =	stream.indirect_vreg.gather [hbm4b:s2+s4], $0x80, v3, vm0, $0xb8;
	[tilespmem:$0x18200] =	vst v63  }
0x99: {  	s29 =	sadd.s32 $0x2200, s26  }
0x9a: {  	[tilespmem:s29], [sflag:s25] =	stream.indirect_vreg.gather [hbm4b:s8+s4], $0x80, v3, vm0, $0xb8;
	[tilespmem:$0x18200] =	vst v63  }
0x9b: {  	s29 =	sadd.s32 $0x2A00, s26  }
0x9c: {  	[tilespmem:s29], [sflag:s25] =	stream.indirect_vreg.gather [hbm4b:s9+s4], $0x80, v3, vm0, $0xb8;
	[tilespmem:$0x18200] =	vst v63  }
0x9d: {  	v3 =	vld [tilespmem:s28+$0x10];
	_ =	sdelay $0x4  }
0x9e: {  	v63 =	vshrl.u32 v3, $0x3  }
0x9f: {  	v4 =	vmul.u32 $0x30, v63  }
0xa0: {  	v3 =	vand.u32 $0x7, v3  }
0xa1: {  	v3 =	vor.u32 v3, v4  }
0xa2: {  	v4 =	vperm.xlane v3, v0;
	_ =	sdelay $0x1  }
0xa3: {  	v4 =	vadd.s32 v1, v4;
	_ =	sdelay $0x3  }
0xa4: {  	s29 =	sadd.s32 $0x3200, s26;
	v3 =	vperm.xlane v3, v2  }
0xa5: {  	[tilespmem:s29], [sflag:s25] =	stream.indirect_vreg.gather [hbm4b:s2+s4], $0x80, v4, vm0, $0xb8;
	[tilespmem:$0x18200] =	vst v63  }
0xa6: {  	v3 =	vadd.s32 v1, v3;
	s29 =	sadd.s32 $0x3A00, s26  }
0xa7: {  	[tilespmem:s29], [sflag:s25] =	stream.indirect_vreg.gather [hbm4b:s8+s4], $0x80, v4, vm0, $0xb8;
	[tilespmem:$0x18200] =	vst v63  }
0xa8: {  	s29 =	sadd.s32 $0x4200, s26  }
0xa9: {  	[tilespmem:s29], [sflag:s25] =	stream.indirect_vreg.gather [hbm4b:s9+s4], $0x80, v4, vm0, $0xb8;
	[tilespmem:$0x18200] =	vst v63  }
0xaa: {  	s29 =	sadd.s32 $0x4A00, s26  }
0xab: {  	[tilespmem:s29], [sflag:s25] =	stream.indirect_vreg.gather [hbm4b:s2+s4], $0x80, v3, vm0, $0xb8;
	[tilespmem:$0x18200] =	vst v63  }
.Ltmp5:
0xac: {  	_ = 	snop;
	(pc) =	sbr.rel .LBB2_4-.Ltmp5, $4  }
0xad: {  	s29 =	sadd.s32 $0x5200, s26  }
0xae: {  	[tilespmem:s29], [sflag:s25] =	stream.indirect_vreg.gather [hbm4b:s8+s4], $0x80, v3, vm0, $0xb8;
	[tilespmem:$0x18200] =	vst v63  }
0xaf: {  	s26 =	sadd.s32 $0x5A00, s26  }
0xb0: {  	[tilespmem:s26], [sflag:s25] =	stream.indirect_vreg.gather [hbm4b:s9+s4], $0x80, v3, vm0, $0xb8;
	[tilespmem:$0x18200] =	vst v63  }
.LBB2_6:
0xb1: {  	_ =	sfence.sel $0x180000  }
0xb2: {  	[bflag:$0x0] =	sbarrier.arrive $0xFFFF  }
0xb3: {  	_ =	strace $0x90000047  }
0xb4: {  	s0 =	stileid.u32;
	[bflag:$0x2] =	sbarrier.arrive $0xFFFF  }
0xb5: {  	p0 =	sne.s32 s0, $0x0;
	s0 =	rddreg [dreg:$0x3]  }
0xb6: {  	s0 =	sadd.s32 @!p0 $0x100000, s0  }
0xb7: {  	[sflag:s0] =	ssyncadd.tile.s32 @!p0 $0x1;
	_ =	shalt  }
.Lfunc_end2:
_tile_overlayer_lowered:
.L_overlay_start_2:
0xb8: {  	(tag) =	ssettag $0x2  }
0xb9: {  	s0 =	rddreg [dreg:$0x0];
	s2 =	stileid.u32  }
0xba: {  	s1 =	rddreg [dreg:$0x1];
	p0 =	sne.s32 s2, $0x0  }
0xbb: {  	s3 =	rddreg [dreg:$0x2];
	[bflag:$0x3] =	sbarrier.arrive $0xFFFF;
	s2 =	simm.s32 @!p0 $0x1C09  }
0xbc: {  	[timem:s3], [sflag:s2] =	dma.local @!p0 [hbm:s0], s1  }
0xbd: {  	s0 =	simm.s32 @!p0 $0x9  }
0xbe: {  	_ =	swait.ge @!p0 [sflag:s0], s1  }
0xbf: {  	s1 =	ssub.s32 @!p0 $0x0, s1;
	[sflag:s0] =	ssyncset.done @!p0 $0x0  }
0xc0: {  	[sflag:s0] =	ssyncadd.s32 @!p0 s1  }
0xc1: {  	[bflag:$0x3] =	sbarrier.arrive $0xFFFF  }
0xc2: {  	_ =	shalt  }

</sc_bundles>
